<compile_context>
chip_gen: v7x
topology: tpu7x:2x2x1
jax: 0.10.2.dev20260603
libtpu: 0.0.44.dev20260713+nightly
codegen_flags: <defaults>
</compile_context>

<pallas_src>
import functools

import jax
import jax.numpy as jnp
from jax import lax
from jax.experimental import pallas as pl
from jax.experimental.pallas import tpu as pltpu
from jax.experimental.pallas import tpu_sc as plsc

N = 10000
E = 320000
D = 128

NC, NS = 2, 16
NW = NC * NS
EPT = E // NW
CH = 125
CPT = EPT // CH

RPT_A = 632
RPT_LAST = N - RPT_A * (NS - 1)

_mesh = plsc.VectorSubcoreMesh(
    core_axis_name="c", subcore_axis_name="s", num_cores=NC, num_subcores=NS
)



@functools.partial(
    pl.kernel,
    out_type=jax.ShapeDtypeStruct((NC, N, 16), jnp.float32),
    mesh=_mesh,
    scratch_types=[
        pltpu.VMEM((CPT, CH), jnp.int32),
        pltpu.VMEM((CH, 16), jnp.float32),
        pltpu.VMEM_SHARED((N, 16), jnp.float32),
        pltpu.SemaphoreType.DMA,
    ],
)
def _deg_kernel(src3_hbm, ones_hbm, zeros_hbm, out_hbm, srci, ones_v, acc, sem):
    c = lax.axis_index("c")
    s = lax.axis_index("s")
    wid = c * NS + s

    @pl.when(s < NS - 1)
    def _():
        r0 = s * RPT_A
        pltpu.async_copy(zeros_hbm.at[pl.ds(r0, RPT_A)],
                         acc.at[pl.ds(r0, RPT_A)], sem)

    @pl.when(s == NS - 1)
    def _():
        r0 = (NS - 1) * RPT_A
        pltpu.async_copy(zeros_hbm.at[pl.ds(r0, RPT_LAST)],
                         acc.at[pl.ds(r0, RPT_LAST)], sem)

    pltpu.sync_copy(ones_hbm, ones_v)
    pltpu.sync_copy(src3_hbm.at[wid], srci)

    @pl.when(s < NS - 1)
    def _():
        r0 = s * RPT_A
        pltpu.make_async_copy(zeros_hbm.at[pl.ds(r0, RPT_A)],
                              acc.at[pl.ds(r0, RPT_A)], sem).wait()

    @pl.when(s == NS - 1)
    def _():
        r0 = (NS - 1) * RPT_A
        pltpu.make_async_copy(zeros_hbm.at[pl.ds(r0, RPT_LAST)],
                              acc.at[pl.ds(r0, RPT_LAST)], sem).wait()

    plsc.subcore_barrier()

    def body(j, carry):
        pltpu.async_copy(ones_v, acc.at[srci.at[j]], sem, add=True)
        return carry

    lax.fori_loop(0, CPT, body, 0)

    def drain(j, carry):
        pltpu.make_async_copy(ones_v, acc.at[srci.at[j]], sem).wait()
        return carry

    lax.fori_loop(0, CPT, drain, 0)
    plsc.subcore_barrier()

    @pl.when(s < NS - 1)
    def _():
        r0 = s * RPT_A
        pltpu.sync_copy(acc.at[pl.ds(r0, RPT_A)],
                        out_hbm.at[c].at[pl.ds(r0, RPT_A)])

    @pl.when(s == NS - 1)
    def _():
        r0 = (NS - 1) * RPT_A
        pltpu.sync_copy(acc.at[pl.ds(r0, RPT_LAST)],
                        out_hbm.at[c].at[pl.ds(r0, RPT_LAST)])


@functools.partial(
    pl.kernel,
    out_type=jax.ShapeDtypeStruct((NC, N, D), jnp.float32),
    mesh=_mesh,
    scratch_types=[
        pltpu.VMEM((CPT // 2, CH), jnp.int32),
        pltpu.VMEM((CPT // 2, CH), jnp.int32),
        pltpu.VMEM((CH, D), jnp.float32),
        pltpu.VMEM((CH, D), jnp.float32),
        pltpu.VMEM_SHARED((N, D), jnp.float32),
        pltpu.SemaphoreType.DMA,
        pltpu.SemaphoreType.DMA,
        pltpu.SemaphoreType.DMA,
        pltpu.SemaphoreType.DMA,
    ],
)
def _spmm_kernel(xs_hbm, dst3_hbm, src3_hbm, zeros_hbm, out_hbm,
                 dsti, srci, buf0, buf1, acc, semg0, semg1, sems0, sems1):
    c = lax.axis_index("c")
    s = lax.axis_index("s")
    wid = c * NS + s
    half = CPT // 2

    @pl.when(s < NS - 1)
    def _():
        r0 = s * RPT_A
        pltpu.async_copy(zeros_hbm.at[pl.ds(r0, RPT_A)],
                         acc.at[pl.ds(r0, RPT_A)], semg0)

    @pl.when(s == NS - 1)
    def _():
        r0 = (NS - 1) * RPT_A
        pltpu.async_copy(zeros_hbm.at[pl.ds(r0, RPT_LAST)],
                         acc.at[pl.ds(r0, RPT_LAST)], semg0)

    pltpu.sync_copy(dst3_hbm.at[wid].at[pl.ds(0, half)], dsti)
    pltpu.sync_copy(src3_hbm.at[wid].at[pl.ds(0, half)], srci)

    @pl.when(s < NS - 1)
    def _():
        r0 = s * RPT_A
        pltpu.make_async_copy(zeros_hbm.at[pl.ds(r0, RPT_A)],
                              acc.at[pl.ds(r0, RPT_A)], semg0).wait()

    @pl.when(s == NS - 1)
    def _():
        r0 = (NS - 1) * RPT_A
        pltpu.make_async_copy(zeros_hbm.at[pl.ds(r0, RPT_LAST)],
                              acc.at[pl.ds(r0, RPT_LAST)], semg0).wait()

    plsc.subcore_barrier()

    def pair(u, carry):
        j0 = 2 * u
        j1 = 2 * u + 1

        @pl.when(u > 0)
        def _():
            pltpu.make_async_copy(buf0, acc.at[srci.at[j0 - 2]], sems0).wait()

        hg0 = pltpu.async_copy(xs_hbm.at[dsti.at[j0]], buf0, semg0)

        @pl.when(u > 0)
        def _():
            pltpu.make_async_copy(buf1, acc.at[srci.at[j1 - 2]], sems1).wait()

        hg1 = pltpu.async_copy(xs_hbm.at[dsti.at[j1]], buf1, semg1)
        hg0.wait()
        pltpu.async_copy(buf0, acc.at[srci.at[j0]], sems0, add=True)
        hg1.wait()
        pltpu.async_copy(buf1, acc.at[srci.at[j1]], sems1, add=True)
        return carry

    for stage in range(2):
        if stage > 0:
            pltpu.sync_copy(dst3_hbm.at[wid].at[pl.ds(stage * half, half)], dsti)
            pltpu.sync_copy(src3_hbm.at[wid].at[pl.ds(stage * half, half)], srci)
        lax.fori_loop(0, half // 2, pair, 0)
        pltpu.make_async_copy(buf0, acc.at[srci.at[half - 2]], sems0).wait()
        pltpu.make_async_copy(buf1, acc.at[srci.at[half - 1]], sems1).wait()
    plsc.subcore_barrier()

    @pl.when(s < NS - 1)
    def _():
        r0 = s * RPT_A
        pltpu.sync_copy(acc.at[pl.ds(r0, RPT_A)],
                        out_hbm.at[c].at[pl.ds(r0, RPT_A)])

    @pl.when(s == NS - 1)
    def _():
        r0 = (NS - 1) * RPT_A
        pltpu.sync_copy(acc.at[pl.ds(r0, RPT_LAST)],
                        out_hbm.at[c].at[pl.ds(r0, RPT_LAST)])



RB = 2000


def _matT(x1, w):
    return lax.dot_general(x1, w, (((1,), (1,)), ((), ())),
                           preferred_element_type=jnp.float32)


def _scale_body(p, x, xs, dinvb):
    deg = p[0, :, 0:1] + p[1, :, 0:1]
    dinv = lax.rsqrt(deg)
    xs[...] = x[...] * dinv
    dinvb[...] = jnp.broadcast_to(dinv, (RB, D))


_scale_call = pl.pallas_call(
    _scale_body,
    grid=(N // RB,),
    in_specs=[
        pl.BlockSpec((NC, RB, 16), lambda i: (0, i, 0)),
        pl.BlockSpec((RB, D), lambda i: (i, 0)),
    ],
    out_specs=[
        pl.BlockSpec((RB, D), lambda i: (i, 0)),
        pl.BlockSpec((RB, D), lambda i: (i, 0)),
    ],
    out_shape=[
        jax.ShapeDtypeStruct((N, D), jnp.float32),
        jax.ShapeDtypeStruct((N, D), jnp.float32),
    ],
)


def _mlp_body(y, dinvb, w, b, lnw, lnb, o):
    x1 = (y[0] + y[1]) * dinvb[...]
    h = _matT(x1, w[...]) + b[...]
    mu = jnp.mean(h, axis=-1, keepdims=True)
    var = jnp.mean((h - mu) ** 2, axis=-1, keepdims=True)
    hn = (h - mu) * lax.rsqrt(var + 1e-5) * lnw[...] + lnb[...]
    act = jnp.where(hn >= 0, hn, 0.01 * hn)
    o[...] = act * dinvb[...]


_mlp_call = pl.pallas_call(
    _mlp_body,
    grid=(N // RB,),
    in_specs=[
        pl.BlockSpec((NC, RB, D), lambda i: (0, i, 0)),
        pl.BlockSpec((RB, D), lambda i: (i, 0)),
        pl.BlockSpec((D, D), lambda i: (0, 0)),
        pl.BlockSpec((1, D), lambda i: (0, 0)),
        pl.BlockSpec((1, D), lambda i: (0, 0)),
        pl.BlockSpec((1, D), lambda i: (0, 0)),
    ],
    out_specs=pl.BlockSpec((RB, D), lambda i: (i, 0)),
    out_shape=jax.ShapeDtypeStruct((N, D), jnp.float32),
)


def _final_body(y, dinvb, w, b, o):
    x1 = (y[0] + y[1]) * dinvb[...]
    o[...] = _matT(x1, w[...]) + b[...]


_final_call = pl.pallas_call(
    _final_body,
    grid=(N // RB,),
    in_specs=[
        pl.BlockSpec((NC, RB, D), lambda i: (0, i, 0)),
        pl.BlockSpec((RB, D), lambda i: (i, 0)),
        pl.BlockSpec((D, D), lambda i: (0, 0)),
        pl.BlockSpec((1, D), lambda i: (0, 0)),
    ],
    out_specs=pl.BlockSpec((RB, D), lambda i: (i, 0)),
    out_shape=jax.ShapeDtypeStruct((N, D), jnp.float32),
)



def kernel(x, edge_index, W0, b0, ln_w, ln_b, W1, b1):
    src3 = edge_index[0].reshape(NW, CPT, CH)
    dst3 = edge_index[1].reshape(NW, CPT, CH)
    ones16 = jnp.ones((CH, 16), jnp.float32)
    zeros16 = jnp.zeros((N, 16), jnp.float32)
    zeros128 = jnp.zeros((N, D), jnp.float32)

    degp = _deg_kernel(src3, ones16, zeros16)
    xs, dinvb = _scale_call(degp, x)
    yp = _spmm_kernel(xs, dst3, src3, zeros128)
    xs2 = _mlp_call(yp, dinvb, W0,
                    b0.reshape(1, D), ln_w.reshape(1, D), ln_b.reshape(1, D))
    yp2 = _spmm_kernel(xs2, dst3, src3, zeros128)
    out = _final_call(yp2, dinvb, W1, b1.reshape(1, D))
    return out

# --- scband reference (transcript-rebuilt; emitter-appended) ---
"""Pipeline reference for scband-net-77214922047879 (READ-ONLY COPY).

The authoritative reference and input builder live on the scoring server;
editing this copy changes nothing except your own understanding.
"""

import jax, jax.numpy as jnp
import numpy as np

N = 10000
E = 320000
DIN = 128
HID = 128
DOUT = 128


def setup_inputs(seed: int = 0) -> dict:
    key = jax.random.key(seed)
    ks = jax.random.split(key, 8)
    x = jax.random.normal(ks[0], (N, DIN), dtype=jnp.float32)
    edge_index = jax.random.randint(ks[1], (2, E), 0, N, dtype=jnp.int32)
    # learned parameters sized per init_kwargs (n_layers=2, sym GNN MLP, no attention)
    W0 = jax.random.normal(ks[2], (HID, DIN), dtype=jnp.float32) * (1.0 / np.sqrt(DIN))
    b0 = jnp.zeros((HID,), dtype=jnp.float32)
    ln_w = jnp.ones((HID,), dtype=jnp.float32)
    ln_b = jnp.zeros((HID,), dtype=jnp.float32)
    W1 = jax.random.normal(ks[3], (DOUT, HID), dtype=jnp.float32) * (1.0 / np.sqrt(HID))
    b1 = jnp.zeros((DOUT,), dtype=jnp.float32)
    return {"x": x, "edge_index": edge_index, "W0": W0, "b0": b0, "ln_w": ln_w, "ln_b": ln_b, "W1": W1, "b1": b1}


def _layer_norm(h, w, b, eps=1e-5):
    mu = jnp.mean(h, axis=-1, keepdims=True)
    var = jnp.mean((h - mu) ** 2, axis=-1, keepdims=True)
    return (h - mu) / jnp.sqrt(var + eps) * w + b


def _leaky_relu(h, slope=0.01):
    return jnp.where(h >= 0, h, slope * h)


def reference(x, edge_index, W0, b0, ln_w, ln_b, W1, b1):
    # norm_adj (symmetric): deg from source indices, val = deg^-0.5 at both endpoints
    src = edge_index[0]
    dst = edge_index[1]
    deg = jnp.zeros((N,), dtype=jnp.float32).at[src].add(1.0)
    dinv = deg ** (-0.5)
    val = dinv[src] * dinv[dst]

    def spmm(z):
        # A @ z where A = coo(edge_index, val, (N, N))
        gathered = z[dst] * val[:, None]
        return jnp.zeros((N, z.shape[1]), dtype=z.dtype).at[src].add(gathered)

    # layer 0: x = A @ x; h = Linear0(x); act = LayerNorm + LeakyReLU
    x = spmm(x)
    h = x @ W0.T + b0
    h = _layer_norm(h, ln_w, ln_b)
    x = _leaky_relu(h)
    # layer 1: x = A @ x; h = Linear1(x); act = Identity
    x = spmm(x)
    out = x @ W1.T + b1
    return out

if __name__ == "__main__":
    import jax
    _d = setup_inputs()
    print(jax.jit(kernel)(*tuple(_d.values())))

</pallas_src>

<mosaic_0001>
#map = affine_map<(d0, d1) -> (0, 0)>
#map1 = affine_map<(d0, d1) -> (0, 0, 0)>
module attributes {stable_mosaic.version = 14 : i64} {
  func.func @_spmm_kernel(%arg0: i32, %arg1: i32, %arg2: memref<10000x128xf32, #tpu.memory_space<hbm>>, %arg3: memref<32x80x125xi32, #tpu.memory_space<hbm>>, %arg4: memref<32x80x125xi32, #tpu.memory_space<hbm>>, %arg5: memref<10000x128xf32, #tpu.memory_space<hbm>>, %arg6: memref<2x10000x128xf32, #tpu.memory_space<hbm>>, %arg7: memref<40x125xi32, #tpu.memory_space<vmem>>, %arg8: memref<40x125xi32, #tpu.memory_space<vmem>>, %arg9: memref<125x128xf32, #tpu.memory_space<vmem>>, %arg10: memref<125x128xf32, #tpu.memory_space<vmem>>, %arg11: memref<10000x128xf32, #tpu.memory_space<vmem_shared>>, %arg12: memref<!tpu.dma_semaphore, #tpu.memory_space<semaphore_mem>>, %arg13: memref<!tpu.dma_semaphore, #tpu.memory_space<semaphore_mem>>, %arg14: memref<!tpu.dma_semaphore, #tpu.memory_space<semaphore_mem>>, %arg15: memref<!tpu.dma_semaphore, #tpu.memory_space<semaphore_mem>>) attributes {dimension_semantics = [#tpu.dimension_semantics<core_parallel>, #tpu.dimension_semantics<subcore_parallel>], iteration_bounds = array<i64: 2, 16>, scalar_prefetch = 0 : i64, scratch_operands = 9 : i64, tpu.core_type = #tpu.core_type<sc_vector_subcore>, window_params = [{transform_indices = #map}, {transform_indices = #map1}, {transform_indices = #map1}, {transform_indices = #map}, {transform_indices = #map1}]} {
    %mul3A = arith.constant 16 : i32
    %mul3A_0 = arith.muli %arg0, %mul3A : i32
    %add3A = arith.addi %mul3A_0, %arg1 : i32
    %lt3A = arith.constant 15 : i32
    %lt3A_1 = arith.cmpi slt, %arg1, %lt3A : i32
    %convert_element_type3A = arith.extui %lt3A_1 : i1 to i32
    %cond3A = arith.constant 0 : i32
    %cond3A_2 = arith.cmpi ne, %convert_element_type3A, %cond3A : i32
    scf.if %cond3A_2 {
      %mul3A_66 = arith.constant 632 : i32
      %mul3A_67 = arith.muli %arg1, %mul3A_66 : i32
      %dma_start3A = arith.constant 0 : i32
      %dma_start3A_68 = tpu.memref_slice %arg11[%mul3A_67, %dma_start3A] : memref<10000x128xf32, #tpu.memory_space<vmem_shared>> -> memref<632x128xf32, #tpu.memory_space<vmem_shared>>
      %dma_start3A_69 = arith.constant 0 : i32
      %dma_start3A_70 = tpu.memref_slice %arg5[%mul3A_67, %dma_start3A_69] : memref<10000x128xf32, #tpu.memory_space<hbm>> -> memref<632x128xf32, #tpu.memory_space<hbm>>
      tpu.enqueue_dma source(%dma_start3A_70 : memref<632x128xf32, #tpu.memory_space<hbm>>) target(%dma_start3A_68 : memref<632x128xf32, #tpu.memory_space<vmem_shared>>) target_semaphore(%arg12 : memref<!tpu.dma_semaphore, #tpu.memory_space<semaphore_mem>>)
    } else {
    }
    %eq3A = arith.constant 15 : i32
    %eq3A_3 = arith.cmpi eq, %arg1, %eq3A : i32
    %convert_element_type3A_4 = arith.extui %eq3A_3 : i1 to i32
    %cond3A_5 = arith.constant 0 : i32
    %cond3A_6 = arith.cmpi ne, %convert_element_type3A_4, %cond3A_5 : i32
    scf.if %cond3A_6 {
      %dma_start3A = arith.constant 9480 : i32
      %dma_start3A_66 = arith.constant 0 : i32
      %dma_start3A_67 = tpu.memref_slice %arg11[%dma_start3A, %dma_start3A_66] : memref<10000x128xf32, #tpu.memory_space<vmem_shared>> -> memref<520x128xf32, #tpu.memory_space<vmem_shared>>
      %dma_start3A_68 = arith.constant 9480 : i32
      %dma_start3A_69 = arith.constant 0 : i32
      %dma_start3A_70 = tpu.memref_slice %arg5[%dma_start3A_68, %dma_start3A_69] : memref<10000x128xf32, #tpu.memory_space<hbm>> -> memref<520x128xf32, #tpu.memory_space<hbm>>
      tpu.enqueue_dma source(%dma_start3A_70 : memref<520x128xf32, #tpu.memory_space<hbm>>) target(%dma_start3A_67 : memref<520x128xf32, #tpu.memory_space<vmem_shared>>) target_semaphore(%arg12 : memref<!tpu.dma_semaphore, #tpu.memory_space<semaphore_mem>>)
    } else {
    }
    "tpu.region"() ({
      %run_scoped3A = tpu.sem_alloc : memref<!tpu.dma_semaphore, #tpu.memory_space<semaphore_mem>>
      %dma_start3A = arith.constant 0 : i32
      %dma_start3A_66 = arith.constant 0 : i32
      %dma_start3A_67 = tpu.memref_slice %arg3[%add3A, %dma_start3A, %dma_start3A_66] : memref<32x80x125xi32, #tpu.memory_space<hbm>> -> memref<1x80x125xi32, #tpu.memory_space<hbm>>
      %dma_start3A_68 = tpu.memref_squeeze %dma_start3A_67 : memref<1x80x125xi32, #tpu.memory_space<hbm>> -> memref<80x125xi32, #tpu.memory_space<hbm>>
      %dma_start3A_69 = arith.constant 0 : i32
      %dma_start3A_70 = arith.constant 0 : i32
      %dma_start3A_71 = tpu.memref_slice %dma_start3A_68[%dma_start3A_69, %dma_start3A_70] : memref<80x125xi32, #tpu.memory_space<hbm>> -> memref<40x125xi32, #tpu.memory_space<hbm>>
      %dma_start3A_72 = arith.constant 0 : i32
      %dma_start3A_73 = arith.constant 0 : i32
      %dma_start3A_74 = tpu.memref_slice %arg3[%add3A, %dma_start3A_72, %dma_start3A_73] : memref<32x80x125xi32, #tpu.memory_space<hbm>> -> memref<1x80x125xi32, #tpu.memory_space<hbm>>
      %dma_start3A_75 = tpu.memref_squeeze %dma_start3A_74 : memref<1x80x125xi32, #tpu.memory_space<hbm>> -> memref<80x125xi32, #tpu.memory_space<hbm>>
      %dma_start3A_76 = arith.constant 0 : i32
      %dma_start3A_77 = arith.constant 0 : i32
      %dma_start3A_78 = tpu.memref_slice %dma_start3A_75[%dma_start3A_76, %dma_start3A_77] : memref<80x125xi32, #tpu.memory_space<hbm>> -> memref<40x125xi32, #tpu.memory_space<hbm>>
      tpu.enqueue_dma source(%dma_start3A_78 : memref<40x125xi32, #tpu.memory_space<hbm>>) target(%arg7 : memref<40x125xi32, #tpu.memory_space<vmem>>) target_semaphore(%run_scoped3A : memref<!tpu.dma_semaphore, #tpu.memory_space<semaphore_mem>>)
      %dma_wait3A_79 = arith.constant 0 : i32
      %dma_wait3A_80 = arith.constant 0 : i32
      %dma_wait3A_81 = tpu.memref_slice %arg3[%add3A, %dma_wait3A_79, %dma_wait3A_80] : memref<32x80x125xi32, #tpu.memory_space<hbm>> -> memref<1x80x125xi32, #tpu.memory_space<hbm>>
      %dma_wait3A_82 = tpu.memref_squeeze %dma_wait3A_81 : memref<1x80x125xi32, #tpu.memory_space<hbm>> -> memref<80x125xi32, #tpu.memory_space<hbm>>
      %dma_wait3A_83 = arith.constant 0 : i32
      %dma_wait3A_84 = arith.constant 0 : i32
      %dma_wait3A_85 = tpu.memref_slice %dma_wait3A_82[%dma_wait3A_83, %dma_wait3A_84] : memref<80x125xi32, #tpu.memory_space<hbm>> -> memref<40x125xi32, #tpu.memory_space<hbm>>
      %dma_wait3A_86 = arith.constant 0 : i32
      %dma_wait3A_87 = arith.constant 0 : i32
      %dma_wait3A_88 = tpu.memref_slice %arg3[%add3A, %dma_wait3A_86, %dma_wait3A_87] : memref<32x80x125xi32, #tpu.memory_space<hbm>> -> memref<1x80x125xi32, #tpu.memory_space<hbm>>
      %dma_wait3A_89 = tpu.memref_squeeze %dma_wait3A_88 : memref<1x80x125xi32, #tpu.memory_space<hbm>> -> memref<80x125xi32, #tpu.memory_space<hbm>>
      %dma_wait3A_90 = arith.constant 0 : i32
      %dma_wait3A_91 = arith.constant 0 : i32
      %dma_wait3A_92 = tpu.memref_slice %dma_wait3A_89[%dma_wait3A_90, %dma_wait3A_91] : memref<80x125xi32, #tpu.memory_space<hbm>> -> memref<40x125xi32, #tpu.memory_space<hbm>>
      tpu.wait_dma2 semaphore(%run_scoped3A : memref<!tpu.dma_semaphore, #tpu.memory_space<semaphore_mem>>) src(%dma_wait3A_92 : memref<40x125xi32, #tpu.memory_space<hbm>>) dst(%arg7 : memref<40x125xi32, #tpu.memory_space<vmem>>)
      tpu.yield
    }) : () -> ()
    "tpu.region"() ({
      %run_scoped3A = tpu.sem_alloc : memref<!tpu.dma_semaphore, #tpu.memory_space<semaphore_mem>>
      %dma_start3A = arith.constant 0 : i32
      %dma_start3A_66 = arith.constant 0 : i32
      %dma_start3A_67 = tpu.memref_slice %arg4[%add3A, %dma_start3A, %dma_start3A_66] : memref<32x80x125xi32, #tpu.memory_space<hbm>> -> memref<1x80x125xi32, #tpu.memory_space<hbm>>
      %dma_start3A_68 = tpu.memref_squeeze %dma_start3A_67 : memref<1x80x125xi32, #tpu.memory_space<hbm>> -> memref<80x125xi32, #tpu.memory_space<hbm>>
      %dma_start3A_69 = arith.constant 0 : i32
      %dma_start3A_70 = arith.constant 0 : i32
      %dma_start3A_71 = tpu.memref_slice %dma_start3A_68[%dma_start3A_69, %dma_start3A_70] : memref<80x125xi32, #tpu.memory_space<hbm>> -> memref<40x125xi32, #tpu.memory_space<hbm>>
      %dma_start3A_72 = arith.constant 0 : i32
      %dma_start3A_73 = arith.constant 0 : i32
      %dma_start3A_74 = tpu.memref_slice %arg4[%add3A, %dma_start3A_72, %dma_start3A_73] : memref<32x80x125xi32, #tpu.memory_space<hbm>> -> memref<1x80x125xi32, #tpu.memory_space<hbm>>
      %dma_start3A_75 = tpu.memref_squeeze %dma_start3A_74 : memref<1x80x125xi32, #tpu.memory_space<hbm>> -> memref<80x125xi32, #tpu.memory_space<hbm>>
      %dma_start3A_76 = arith.constant 0 : i32
      %dma_start3A_77 = arith.constant 0 : i32
      %dma_start3A_78 = tpu.memref_slice %dma_start3A_75[%dma_start3A_76, %dma_start3A_77] : memref<80x125xi32, #tpu.memory_space<hbm>> -> memref<40x125xi32, #tpu.memory_space<hbm>>
      tpu.enqueue_dma source(%dma_start3A_78 : memref<40x125xi32, #tpu.memory_space<hbm>>) target(%arg8 : memref<40x125xi32, #tpu.memory_space<vmem>>) target_semaphore(%run_scoped3A : memref<!tpu.dma_semaphore, #tpu.memory_space<semaphore_mem>>)
      %dma_wait3A_79 = arith.constant 0 : i32
      %dma_wait3A_80 = arith.constant 0 : i32
      %dma_wait3A_81 = tpu.memref_slice %arg4[%add3A, %dma_wait3A_79, %dma_wait3A_80] : memref<32x80x125xi32, #tpu.memory_space<hbm>> -> memref<1x80x125xi32, #tpu.memory_space<hbm>>
      %dma_wait3A_82 = tpu.memref_squeeze %dma_wait3A_81 : memref<1x80x125xi32, #tpu.memory_space<hbm>> -> memref<80x125xi32, #tpu.memory_space<hbm>>
      %dma_wait3A_83 = arith.constant 0 : i32
      %dma_wait3A_84 = arith.constant 0 : i32
      %dma_wait3A_85 = tpu.memref_slice %dma_wait3A_82[%dma_wait3A_83, %dma_wait3A_84] : memref<80x125xi32, #tpu.memory_space<hbm>> -> memref<40x125xi32, #tpu.memory_space<hbm>>
      %dma_wait3A_86 = arith.constant 0 : i32
      %dma_wait3A_87 = arith.constant 0 : i32
      %dma_wait3A_88 = tpu.memref_slice %arg4[%add3A, %dma_wait3A_86, %dma_wait3A_87] : memref<32x80x125xi32, #tpu.memory_space<hbm>> -> memref<1x80x125xi32, #tpu.memory_space<hbm>>
      %dma_wait3A_89 = tpu.memref_squeeze %dma_wait3A_88 : memref<1x80x125xi32, #tpu.memory_space<hbm>> -> memref<80x125xi32, #tpu.memory_space<hbm>>
      %dma_wait3A_90 = arith.constant 0 : i32
      %dma_wait3A_91 = arith.constant 0 : i32
      %dma_wait3A_92 = tpu.memref_slice %dma_wait3A_89[%dma_wait3A_90, %dma_wait3A_91] : memref<80x125xi32, #tpu.memory_space<hbm>> -> memref<40x125xi32, #tpu.memory_space<hbm>>
      tpu.wait_dma2 semaphore(%run_scoped3A : memref<!tpu.dma_semaphore, #tpu.memory_space<semaphore_mem>>) src(%dma_wait3A_92 : memref<40x125xi32, #tpu.memory_space<hbm>>) dst(%arg8 : memref<40x125xi32, #tpu.memory_space<vmem>>)
      tpu.yield
    }) : () -> ()
    %lt3A_7 = arith.constant 15 : i32
    %lt3A_8 = arith.cmpi slt, %arg1, %lt3A_7 : i32
    %convert_element_type3A_9 = arith.extui %lt3A_8 : i1 to i32
    %cond3A_10 = arith.constant 0 : i32
    %cond3A_11 = arith.cmpi ne, %convert_element_type3A_9, %cond3A_10 : i32
    scf.if %cond3A_11 {
      %mul3A_66 = arith.constant 632 : i32
      %mul3A_67 = arith.muli %arg1, %mul3A_66 : i32
      %dma_wait3A_68 = arith.constant 0 : i32
      %dma_wait3A_69 = tpu.memref_slice %arg11[%mul3A_67, %dma_wait3A_68] : memref<10000x128xf32, #tpu.memory_space<vmem_shared>> -> memref<632x128xf32, #tpu.memory_space<vmem_shared>>
      %dma_wait3A_70 = arith.constant 0 : i32
      %dma_wait3A_71 = tpu.memref_slice %arg5[%mul3A_67, %dma_wait3A_70] : memref<10000x128xf32, #tpu.memory_space<hbm>> -> memref<632x128xf32, #tpu.memory_space<hbm>>
      tpu.wait_dma2 semaphore(%arg12 : memref<!tpu.dma_semaphore, #tpu.memory_space<semaphore_mem>>) src(%dma_wait3A_71 : memref<632x128xf32, #tpu.memory_space<hbm>>) dst(%dma_wait3A_69 : memref<632x128xf32, #tpu.memory_space<vmem_shared>>)
    } else {
    }
    %eq3A_12 = arith.constant 15 : i32
    %eq3A_13 = arith.cmpi eq, %arg1, %eq3A_12 : i32
    %convert_element_type3A_14 = arith.extui %eq3A_13 : i1 to i32
    %cond3A_15 = arith.constant 0 : i32
    %cond3A_16 = arith.cmpi ne, %convert_element_type3A_14, %cond3A_15 : i32
    scf.if %cond3A_16 {
      %dma_wait3A_66 = arith.constant 9480 : i32
      %dma_wait3A_67 = arith.constant 0 : i32
      %dma_wait3A_68 = tpu.memref_slice %arg11[%dma_wait3A_66, %dma_wait3A_67] : memref<10000x128xf32, #tpu.memory_space<vmem_shared>> -> memref<520x128xf32, #tpu.memory_space<vmem_shared>>
      %dma_wait3A_69 = arith.constant 9480 : i32
      %dma_wait3A_70 = arith.constant 0 : i32
      %dma_wait3A_71 = tpu.memref_slice %arg5[%dma_wait3A_69, %dma_wait3A_70] : memref<10000x128xf32, #tpu.memory_space<hbm>> -> memref<520x128xf32, #tpu.memory_space<hbm>>
      tpu.wait_dma2 semaphore(%arg12 : memref<!tpu.dma_semaphore, #tpu.memory_space<semaphore_mem>>) src(%dma_wait3A_71 : memref<520x128xf32, #tpu.memory_space<hbm>>) dst(%dma_wait3A_68 : memref<520x128xf32, #tpu.memory_space<vmem_shared>>)
    } else {
    }
    %barrier3A = arith.constant 0 : index
    tpu.barrier barrier_id(%barrier3A)
    %scan3A = arith.constant 0 : i32
    %scan3A_17 = arith.constant 0 : i32
    %scan3A_18 = arith.constant 20 : i32
    %scan3A_19 = arith.addi %scan3A_17, %scan3A_18 : i32
    %scan3A_20 = arith.constant 1 : i32
    scf.for %scan3A_66 = %scan3A_17 to %scan3A_19 step %scan3A_20  : i32 {
      %mul3A_67 = arith.constant 2 : i32
      %mul3A_68 = arith.muli %mul3A_67, %scan3A_66 : i32
      %mul3A_69 = arith.constant 2 : i32
      %mul3A_70 = arith.muli %mul3A_69, %scan3A_66 : i32
      %add3A_71 = arith.constant 1 : i32
      %add3A_72 = arith.addi %mul3A_70, %add3A_71 : i32
      %gt3A = arith.constant 0 : i32
      %gt3A_73 = arith.cmpi sgt, %scan3A_66, %gt3A : i32
      %convert_element_type3A_74 = arith.extui %gt3A_73 : i1 to i32
      %cond3A_75 = arith.constant 0 : i32
      %cond3A_76 = arith.cmpi ne, %convert_element_type3A_74, %cond3A_75 : i32
      scf.if %cond3A_76 {
        %sub3A = arith.constant 2 : i32
        %sub3A_117 = arith.subi %mul3A_68, %sub3A : i32
        %dma_wait3A_118 = arith.constant 0 : i32
        %dma_wait3A_119 = tpu.memref_slice %arg8[%sub3A_117, %dma_wait3A_118] : memref<40x125xi32, #tpu.memory_space<vmem>> -> memref<1x125xi32, #tpu.memory_space<vmem>>
        %dma_wait3A_120 = tpu.memref_squeeze %dma_wait3A_119 : memref<1x125xi32, #tpu.memory_space<vmem>> -> memref<125xi32, #tpu.memory_space<vmem>>
        %dma_wait3A_121 = arith.constant 0 : i32
        %dma_wait3A_122 = arith.constant 0 : i32
        %dma_wait3A_123 = tpu.memref_slice %arg11[%dma_wait3A_121, %dma_wait3A_122] : memref<10000x128xf32, #tpu.memory_space<vmem_shared>> -> memref<10000x128xf32, #tpu.memory_space<vmem_shared>>
        tpu.wait_indirect_dma semaphore(%arg14 : memref<!tpu.dma_semaphore, #tpu.memory_space<semaphore_mem>>) src(%arg9 : memref<125x128xf32, #tpu.memory_space<vmem>>) dst(%dma_wait3A_123 : memref<10000x128xf32, #tpu.memory_space<vmem_shared>>)
      } else {
      }
      %dma_start3A = arith.constant 0 : i32
      %dma_start3A_77 = tpu.memref_slice %arg7[%mul3A_68, %dma_start3A] : memref<40x125xi32, #tpu.memory_space<vmem>> -> memref<1x125xi32, #tpu.memory_space<vmem>>
      %dma_start3A_78 = tpu.memref_squeeze %dma_start3A_77 : memref<1x125xi32, #tpu.memory_space<vmem>> -> memref<125xi32, #tpu.memory_space<vmem>>
      %dma_start3A_79 = arith.constant 0 : i32
      %dma_start3A_80 = arith.constant 0 : i32
      %dma_start3A_81 = tpu.memref_slice %arg2[%dma_start3A_79, %dma_start3A_80] : memref<10000x128xf32, #tpu.memory_space<hbm>> -> memref<10000x128xf32, #tpu.memory_space<hbm>>
      tpu.enqueue_indirect_dma source(%dma_start3A_81 : memref<10000x128xf32, #tpu.memory_space<hbm>>) target(%arg9 : memref<125x128xf32, #tpu.memory_space<vmem>>) offsets(%dma_start3A_78 : memref<125xi32, #tpu.memory_space<vmem>>) semaphore(%arg12 : memref<!tpu.dma_semaphore, #tpu.memory_space<semaphore_mem>>)
      %gt3A_82 = arith.constant 0 : i32
      %gt3A_83 = arith.cmpi sgt, %scan3A_66, %gt3A_82 : i32
      %convert_element_type3A_84 = arith.extui %gt3A_83 : i1 to i32
      %cond3A_85 = arith.constant 0 : i32
      %cond3A_86 = arith.cmpi ne, %convert_element_type3A_84, %cond3A_85 : i32
      scf.if %cond3A_86 {
        %sub3A = arith.constant 2 : i32
        %sub3A_117 = arith.subi %add3A_72, %sub3A : i32
        %dma_wait3A_118 = arith.constant 0 : i32
        %dma_wait3A_119 = tpu.memref_slice %arg8[%sub3A_117, %dma_wait3A_118] : memref<40x125xi32, #tpu.memory_space<vmem>> -> memref<1x125xi32, #tpu.memory_space<vmem>>
        %dma_wait3A_120 = tpu.memref_squeeze %dma_wait3A_119 : memref<1x125xi32, #tpu.memory_space<vmem>> -> memref<125xi32, #tpu.memory_space<vmem>>
        %dma_wait3A_121 = arith.constant 0 : i32
        %dma_wait3A_122 = arith.constant 0 : i32
        %dma_wait3A_123 = tpu.memref_slice %arg11[%dma_wait3A_121, %dma_wait3A_122] : memref<10000x128xf32, #tpu.memory_space<vmem_shared>> -> memref<10000x128xf32, #tpu.memory_space<vmem_shared>>
        tpu.wait_indirect_dma semaphore(%arg15 : memref<!tpu.dma_semaphore, #tpu.memory_space<semaphore_mem>>) src(%arg10 : memref<125x128xf32, #tpu.memory_space<vmem>>) dst(%dma_wait3A_123 : memref<10000x128xf32, #tpu.memory_space<vmem_shared>>)
      } else {
      }
      %dma_start3A_87 = arith.constant 0 : i32
      %dma_start3A_88 = tpu.memref_slice %arg7[%add3A_72, %dma_start3A_87] : memref<40x125xi32, #tpu.memory_space<vmem>> -> memref<1x125xi32, #tpu.memory_space<vmem>>
      %dma_start3A_89 = tpu.memref_squeeze %dma_start3A_88 : memref<1x125xi32, #tpu.memory_space<vmem>> -> memref<125xi32, #tpu.memory_space<vmem>>
      %dma_start3A_90 = arith.constant 0 : i32
      %dma_start3A_91 = arith.constant 0 : i32
      %dma_start3A_92 = tpu.memref_slice %arg2[%dma_start3A_90, %dma_start3A_91] : memref<10000x128xf32, #tpu.memory_space<hbm>> -> memref<10000x128xf32, #tpu.memory_space<hbm>>
      tpu.enqueue_indirect_dma source(%dma_start3A_92 : memref<10000x128xf32, #tpu.memory_space<hbm>>) target(%arg10 : memref<125x128xf32, #tpu.memory_space<vmem>>) offsets(%dma_start3A_89 : memref<125xi32, #tpu.memory_space<vmem>>) semaphore(%arg13 : memref<!tpu.dma_semaphore, #tpu.memory_space<semaphore_mem>>)
      %dma_wait3A_93 = arith.constant 0 : i32
      %dma_wait3A_94 = tpu.memref_slice %arg7[%mul3A_68, %dma_wait3A_93] : memref<40x125xi32, #tpu.memory_space<vmem>> -> memref<1x125xi32, #tpu.memory_space<vmem>>
      %dma_wait3A_95 = tpu.memref_squeeze %dma_wait3A_94 : memref<1x125xi32, #tpu.memory_space<vmem>> -> memref<125xi32, #tpu.memory_space<vmem>>
      %dma_wait3A_96 = arith.constant 0 : i32
      %dma_wait3A_97 = arith.constant 0 : i32
      %dma_wait3A_98 = tpu.memref_slice %arg2[%dma_wait3A_96, %dma_wait3A_97] : memref<10000x128xf32, #tpu.memory_space<hbm>> -> memref<10000x128xf32, #tpu.memory_space<hbm>>
      tpu.wait_indirect_dma semaphore(%arg12 : memref<!tpu.dma_semaphore, #tpu.memory_space<semaphore_mem>>) src(%dma_wait3A_98 : memref<10000x128xf32, #tpu.memory_space<hbm>>) dst(%arg9 : memref<125x128xf32, #tpu.memory_space<vmem>>)
      %dma_start3A_99 = arith.constant 0 : i32
      %dma_start3A_100 = tpu.memref_slice %arg8[%mul3A_68, %dma_start3A_99] : memref<40x125xi32, #tpu.memory_space<vmem>> -> memref<1x125xi32, #tpu.memory_space<vmem>>
      %dma_start3A_101 = tpu.memref_squeeze %dma_start3A_100 : memref<1x125xi32, #tpu.memory_space<vmem>> -> memref<125xi32, #tpu.memory_space<vmem>>
      %dma_start3A_102 = arith.constant 0 : i32
      %dma_start3A_103 = arith.constant 0 : i32
      %dma_start3A_104 = tpu.memref_slice %arg11[%dma_start3A_102, %dma_start3A_103] : memref<10000x128xf32, #tpu.memory_space<vmem_shared>> -> memref<10000x128xf32, #tpu.memory_space<vmem_shared>>
      tpu.enqueue_indirect_dma source(%arg9 : memref<125x128xf32, #tpu.memory_space<vmem>>) target(%dma_start3A_104 : memref<10000x128xf32, #tpu.memory_space<vmem_shared>>) offsets(%dma_start3A_101 : memref<125xi32, #tpu.memory_space<vmem>>) semaphore(%arg14 : memref<!tpu.dma_semaphore, #tpu.memory_space<semaphore_mem>>) {add = true}
      %dma_wait3A_105 = arith.constant 0 : i32
      %dma_wait3A_106 = tpu.memref_slice %arg7[%add3A_72, %dma_wait3A_105] : memref<40x125xi32, #tpu.memory_space<vmem>> -> memref<1x125xi32, #tpu.memory_space<vmem>>
      %dma_wait3A_107 = tpu.memref_squeeze %dma_wait3A_106 : memref<1x125xi32, #tpu.memory_space<vmem>> -> memref<125xi32, #tpu.memory_space<vmem>>
      %dma_wait3A_108 = arith.constant 0 : i32
      %dma_wait3A_109 = arith.constant 0 : i32
      %dma_wait3A_110 = tpu.memref_slice %arg2[%dma_wait3A_108, %dma_wait3A_109] : memref<10000x128xf32, #tpu.memory_space<hbm>> -> memref<10000x128xf32, #tpu.memory_space<hbm>>
      tpu.wait_indirect_dma semaphore(%arg13 : memref<!tpu.dma_semaphore, #tpu.memory_space<semaphore_mem>>) src(%dma_wait3A_110 : memref<10000x128xf32, #tpu.memory_space<hbm>>) dst(%arg10 : memref<125x128xf32, #tpu.memory_space<vmem>>)
      %dma_start3A_111 = arith.constant 0 : i32
      %dma_start3A_112 = tpu.memref_slice %arg8[%add3A_72, %dma_start3A_111] : memref<40x125xi32, #tpu.memory_space<vmem>> -> memref<1x125xi32, #tpu.memory_space<vmem>>
      %dma_start3A_113 = tpu.memref_squeeze %dma_start3A_112 : memref<1x125xi32, #tpu.memory_space<vmem>> -> memref<125xi32, #tpu.memory_space<vmem>>
      %dma_start3A_114 = arith.constant 0 : i32
      %dma_start3A_115 = arith.constant 0 : i32
      %dma_start3A_116 = tpu.memref_slice %arg11[%dma_start3A_114, %dma_start3A_115] : memref<10000x128xf32, #tpu.memory_space<vmem_shared>> -> memref<10000x128xf32, #tpu.memory_space<vmem_shared>>
      tpu.enqueue_indirect_dma source(%arg10 : memref<125x128xf32, #tpu.memory_space<vmem>>) target(%dma_start3A_116 : memref<10000x128xf32, #tpu.memory_space<vmem_shared>>) offsets(%dma_start3A_113 : memref<125xi32, #tpu.memory_space<vmem>>) semaphore(%arg15 : memref<!tpu.dma_semaphore, #tpu.memory_space<semaphore_mem>>) {add = true}
    }
    %scan3A_21 = arith.constant 20 : i32
    %dma_wait3A = arith.constant 38 : i32
    %dma_wait3A_22 = arith.constant 0 : i32
    %dma_wait3A_23 = tpu.memref_slice %arg8[%dma_wait3A, %dma_wait3A_22] : memref<40x125xi32, #tpu.memory_space<vmem>> -> memref<1x125xi32, #tpu.memory_space<vmem>>
    %dma_wait3A_24 = tpu.memref_squeeze %dma_wait3A_23 : memref<1x125xi32, #tpu.memory_space<vmem>> -> memref<125xi32, #tpu.memory_space<vmem>>
    %dma_wait3A_25 = arith.constant 0 : i32
    %dma_wait3A_26 = arith.constant 0 : i32
    %dma_wait3A_27 = tpu.memref_slice %arg11[%dma_wait3A_25, %dma_wait3A_26] : memref<10000x128xf32, #tpu.memory_space<vmem_shared>> -> memref<10000x128xf32, #tpu.memory_space<vmem_shared>>
    tpu.wait_indirect_dma semaphore(%arg14 : memref<!tpu.dma_semaphore, #tpu.memory_space<semaphore_mem>>) src(%arg9 : memref<125x128xf32, #tpu.memory_space<vmem>>) dst(%dma_wait3A_27 : memref<10000x128xf32, #tpu.memory_space<vmem_shared>>)
    %dma_wait3A_28 = arith.constant 39 : i32
    %dma_wait3A_29 = arith.constant 0 : i32
    %dma_wait3A_30 = tpu.memref_slice %arg8[%dma_wait3A_28, %dma_wait3A_29] : memref<40x125xi32, #tpu.memory_space<vmem>> -> memref<1x125xi32, #tpu.memory_space<vmem>>
    %dma_wait3A_31 = tpu.memref_squeeze %dma_wait3A_30 : memref<1x125xi32, #tpu.memory_space<vmem>> -> memref<125xi32, #tpu.memory_space<vmem>>
    %dma_wait3A_32 = arith.constant 0 : i32
    %dma_wait3A_33 = arith.constant 0 : i32
    %dma_wait3A_34 = tpu.memref_slice %arg11[%dma_wait3A_32, %dma_wait3A_33] : memref<10000x128xf32, #tpu.memory_space<vmem_shared>> -> memref<10000x128xf32, #tpu.memory_space<vmem_shared>>
    tpu.wait_indirect_dma semaphore(%arg15 : memref<!tpu.dma_semaphore, #tpu.memory_space<semaphore_mem>>) src(%arg10 : memref<125x128xf32, #tpu.memory_space<vmem>>) dst(%dma_wait3A_34 : memref<10000x128xf32, #tpu.memory_space<vmem_shared>>)
    "tpu.region"() ({
      %run_scoped3A = tpu.sem_alloc : memref<!tpu.dma_semaphore, #tpu.memory_space<semaphore_mem>>
      %dma_start3A = arith.constant 0 : i32
      %dma_start3A_66 = arith.constant 0 : i32
      %dma_start3A_67 = tpu.memref_slice %arg3[%add3A, %dma_start3A, %dma_start3A_66] : memref<32x80x125xi32, #tpu.memory_space<hbm>> -> memref<1x80x125xi32, #tpu.memory_space<hbm>>
      %dma_start3A_68 = tpu.memref_squeeze %dma_start3A_67 : memref<1x80x125xi32, #tpu.memory_space<hbm>> -> memref<80x125xi32, #tpu.memory_space<hbm>>
      %dma_start3A_69 = arith.constant 40 : i32
      %dma_start3A_70 = arith.constant 0 : i32
      %dma_start3A_71 = tpu.memref_slice %dma_start3A_68[%dma_start3A_69, %dma_start3A_70] : memref<80x125xi32, #tpu.memory_space<hbm>> -> memref<40x125xi32, #tpu.memory_space<hbm>>
      %dma_start3A_72 = arith.constant 0 : i32
      %dma_start3A_73 = arith.constant 0 : i32
      %dma_start3A_74 = tpu.memref_slice %arg3[%add3A, %dma_start3A_72, %dma_start3A_73] : memref<32x80x125xi32, #tpu.memory_space<hbm>> -> memref<1x80x125xi32, #tpu.memory_space<hbm>>
      %dma_start3A_75 = tpu.memref_squeeze %dma_start3A_74 : memref<1x80x125xi32, #tpu.memory_space<hbm>> -> memref<80x125xi32, #tpu.memory_space<hbm>>
      %dma_start3A_76 = arith.constant 40 : i32
      %dma_start3A_77 = arith.constant 0 : i32
      %dma_start3A_78 = tpu.memref_slice %dma_start3A_75[%dma_start3A_76, %dma_start3A_77] : memref<80x125xi32, #tpu.memory_space<hbm>> -> memref<40x125xi32, #tpu.memory_space<hbm>>
      tpu.enqueue_dma source(%dma_start3A_78 : memref<40x125xi32, #tpu.memory_space<hbm>>) target(%arg7 : memref<40x125xi32, #tpu.memory_space<vmem>>) target_semaphore(%run_scoped3A : memref<!tpu.dma_semaphore, #tpu.memory_space<semaphore_mem>>)
      %dma_wait3A_79 = arith.constant 0 : i32
      %dma_wait3A_80 = arith.constant 0 : i32
      %dma_wait3A_81 = tpu.memref_slice %arg3[%add3A, %dma_wait3A_79, %dma_wait3A_80] : memref<32x80x125xi32, #tpu.memory_space<hbm>> -> memref<1x80x125xi32, #tpu.memory_space<hbm>>
      %dma_wait3A_82 = tpu.memref_squeeze %dma_wait3A_81 : memref<1x80x125xi32, #tpu.memory_space<hbm>> -> memref<80x125xi32, #tpu.memory_space<hbm>>
      %dma_wait3A_83 = arith.constant 40 : i32
      %dma_wait3A_84 = arith.constant 0 : i32
      %dma_wait3A_85 = tpu.memref_slice %dma_wait3A_82[%dma_wait3A_83, %dma_wait3A_84] : memref<80x125xi32, #tpu.memory_space<hbm>> -> memref<40x125xi32, #tpu.memory_space<hbm>>
      %dma_wait3A_86 = arith.constant 0 : i32
      %dma_wait3A_87 = arith.constant 0 : i32
      %dma_wait3A_88 = tpu.memref_slice %arg3[%add3A, %dma_wait3A_86, %dma_wait3A_87] : memref<32x80x125xi32, #tpu.memory_space<hbm>> -> memref<1x80x125xi32, #tpu.memory_space<hbm>>
      %dma_wait3A_89 = tpu.memref_squeeze %dma_wait3A_88 : memref<1x80x125xi32, #tpu.memory_space<hbm>> -> memref<80x125xi32, #tpu.memory_space<hbm>>
      %dma_wait3A_90 = arith.constant 40 : i32
      %dma_wait3A_91 = arith.constant 0 : i32
      %dma_wait3A_92 = tpu.memref_slice %dma_wait3A_89[%dma_wait3A_90, %dma_wait3A_91] : memref<80x125xi32, #tpu.memory_space<hbm>> -> memref<40x125xi32, #tpu.memory_space<hbm>>
      tpu.wait_dma2 semaphore(%run_scoped3A : memref<!tpu.dma_semaphore, #tpu.memory_space<semaphore_mem>>) src(%dma_wait3A_92 : memref<40x125xi32, #tpu.memory_space<hbm>>) dst(%arg7 : memref<40x125xi32, #tpu.memory_space<vmem>>)
      tpu.yield
    }) : () -> ()
    "tpu.region"() ({
      %run_scoped3A = tpu.sem_alloc : memref<!tpu.dma_semaphore, #tpu.memory_space<semaphore_mem>>
      %dma_start3A = arith.constant 0 : i32
      %dma_start3A_66 = arith.constant 0 : i32
      %dma_start3A_67 = tpu.memref_slice %arg4[%add3A, %dma_start3A, %dma_start3A_66] : memref<32x80x125xi32, #tpu.memory_space<hbm>> -> memref<1x80x125xi32, #tpu.memory_space<hbm>>
      %dma_start3A_68 = tpu.memref_squeeze %dma_start3A_67 : memref<1x80x125xi32, #tpu.memory_space<hbm>> -> memref<80x125xi32, #tpu.memory_space<hbm>>
      %dma_start3A_69 = arith.constant 40 : i32
      %dma_start3A_70 = arith.constant 0 : i32
      %dma_start3A_71 = tpu.memref_slice %dma_start3A_68[%dma_start3A_69, %dma_start3A_70] : memref<80x125xi32, #tpu.memory_space<hbm>> -> memref<40x125xi32, #tpu.memory_space<hbm>>
      %dma_start3A_72 = arith.constant 0 : i32
      %dma_start3A_73 = arith.constant 0 : i32
      %dma_start3A_74 = tpu.memref_slice %arg4[%add3A, %dma_start3A_72, %dma_start3A_73] : memref<32x80x125xi32, #tpu.memory_space<hbm>> -> memref<1x80x125xi32, #tpu.memory_space<hbm>>
      %dma_start3A_75 = tpu.memref_squeeze %dma_start3A_74 : memref<1x80x125xi32, #tpu.memory_space<hbm>> -> memref<80x125xi32, #tpu.memory_space<hbm>>
      %dma_start3A_76 = arith.constant 40 : i32
      %dma_start3A_77 = arith.constant 0 : i32
      %dma_start3A_78 = tpu.memref_slice %dma_start3A_75[%dma_start3A_76, %dma_start3A_77] : memref<80x125xi32, #tpu.memory_space<hbm>> -> memref<40x125xi32, #tpu.memory_space<hbm>>
      tpu.enqueue_dma source(%dma_start3A_78 : memref<40x125xi32, #tpu.memory_space<hbm>>) target(%arg8 : memref<40x125xi32, #tpu.memory_space<vmem>>) target_semaphore(%run_scoped3A : memref<!tpu.dma_semaphore, #tpu.memory_space<semaphore_mem>>)
      %dma_wait3A_79 = arith.constant 0 : i32
      %dma_wait3A_80 = arith.constant 0 : i32
      %dma_wait3A_81 = tpu.memref_slice %arg4[%add3A, %dma_wait3A_79, %dma_wait3A_80] : memref<32x80x125xi32, #tpu.memory_space<hbm>> -> memref<1x80x125xi32, #tpu.memory_space<hbm>>
      %dma_wait3A_82 = tpu.memref_squeeze %dma_wait3A_81 : memref<1x80x125xi32, #tpu.memory_space<hbm>> -> memref<80x125xi32, #tpu.memory_space<hbm>>
      %dma_wait3A_83 = arith.constant 40 : i32
      %dma_wait3A_84 = arith.constant 0 : i32
      %dma_wait3A_85 = tpu.memref_slice %dma_wait3A_82[%dma_wait3A_83, %dma_wait3A_84] : memref<80x125xi32, #tpu.memory_space<hbm>> -> memref<40x125xi32, #tpu.memory_space<hbm>>
      %dma_wait3A_86 = arith.constant 0 : i32
      %dma_wait3A_87 = arith.constant 0 : i32
      %dma_wait3A_88 = tpu.memref_slice %arg4[%add3A, %dma_wait3A_86, %dma_wait3A_87] : memref<32x80x125xi32, #tpu.memory_space<hbm>> -> memref<1x80x125xi32, #tpu.memory_space<hbm>>
      %dma_wait3A_89 = tpu.memref_squeeze %dma_wait3A_88 : memref<1x80x125xi32, #tpu.memory_space<hbm>> -> memref<80x125xi32, #tpu.memory_space<hbm>>
      %dma_wait3A_90 = arith.constant 40 : i32
      %dma_wait3A_91 = arith.constant 0 : i32
      %dma_wait3A_92 = tpu.memref_slice %dma_wait3A_89[%dma_wait3A_90, %dma_wait3A_91] : memref<80x125xi32, #tpu.memory_space<hbm>> -> memref<40x125xi32, #tpu.memory_space<hbm>>
      tpu.wait_dma2 semaphore(%run_scoped3A : memref<!tpu.dma_semaphore, #tpu.memory_space<semaphore_mem>>) src(%dma_wait3A_92 : memref<40x125xi32, #tpu.memory_space<hbm>>) dst(%arg8 : memref<40x125xi32, #tpu.memory_space<vmem>>)
      tpu.yield
    }) : () -> ()
    %scan3A_35 = arith.constant 0 : i32
    %scan3A_36 = arith.constant 0 : i32
    %scan3A_37 = arith.constant 20 : i32
    %scan3A_38 = arith.addi %scan3A_36, %scan3A_37 : i32
    %scan3A_39 = arith.constant 1 : i32
    scf.for %scan3A_66 = %scan3A_36 to %scan3A_38 step %scan3A_39  : i32 {
      %mul3A_67 = arith.constant 2 : i32
      %mul3A_68 = arith.muli %mul3A_67, %scan3A_66 : i32
      %mul3A_69 = arith.constant 2 : i32
      %mul3A_70 = arith.muli %mul3A_69, %scan3A_66 : i32
      %add3A_71 = arith.constant 1 : i32
      %add3A_72 = arith.addi %mul3A_70, %add3A_71 : i32
      %gt3A = arith.constant 0 : i32
      %gt3A_73 = arith.cmpi sgt, %scan3A_66, %gt3A : i32
      %convert_element_type3A_74 = arith.extui %gt3A_73 : i1 to i32
      %cond3A_75 = arith.constant 0 : i32
      %cond3A_76 = arith.cmpi ne, %convert_element_type3A_74, %cond3A_75 : i32
      scf.if %cond3A_76 {
        %sub3A = arith.constant 2 : i32
        %sub3A_117 = arith.subi %mul3A_68, %sub3A : i32
        %dma_wait3A_118 = arith.constant 0 : i32
        %dma_wait3A_119 = tpu.memref_slice %arg8[%sub3A_117, %dma_wait3A_118] : memref<40x125xi32, #tpu.memory_space<vmem>> -> memref<1x125xi32, #tpu.memory_space<vmem>>
        %dma_wait3A_120 = tpu.memref_squeeze %dma_wait3A_119 : memref<1x125xi32, #tpu.memory_space<vmem>> -> memref<125xi32, #tpu.memory_space<vmem>>
        %dma_wait3A_121 = arith.constant 0 : i32
        %dma_wait3A_122 = arith.constant 0 : i32
        %dma_wait3A_123 = tpu.memref_slice %arg11[%dma_wait3A_121, %dma_wait3A_122] : memref<10000x128xf32, #tpu.memory_space<vmem_shared>> -> memref<10000x128xf32, #tpu.memory_space<vmem_shared>>
        tpu.wait_indirect_dma semaphore(%arg14 : memref<!tpu.dma_semaphore, #tpu.memory_space<semaphore_mem>>) src(%arg9 : memref<125x128xf32, #tpu.memory_space<vmem>>) dst(%dma_wait3A_123 : memref<10000x128xf32, #tpu.memory_space<vmem_shared>>)
      } else {
      }
      %dma_start3A = arith.constant 0 : i32
      %dma_start3A_77 = tpu.memref_slice %arg7[%mul3A_68, %dma_start3A] : memref<40x125xi32, #tpu.memory_space<vmem>> -> memref<1x125xi32, #tpu.memory_space<vmem>>
      %dma_start3A_78 = tpu.memref_squeeze %dma_start3A_77 : memref<1x125xi32, #tpu.memory_space<vmem>> -> memref<125xi32, #tpu.memory_space<vmem>>
      %dma_start3A_79 = arith.constant 0 : i32
      %dma_start3A_80 = arith.constant 0 : i32
      %dma_start3A_81 = tpu.memref_slice %arg2[%dma_start3A_79, %dma_start3A_80] : memref<10000x128xf32, #tpu.memory_space<hbm>> -> memref<10000x128xf32, #tpu.memory_space<hbm>>
      tpu.enqueue_indirect_dma source(%dma_start3A_81 : memref<10000x128xf32, #tpu.memory_space<hbm>>) target(%arg9 : memref<125x128xf32, #tpu.memory_space<vmem>>) offsets(%dma_start3A_78 : memref<125xi32, #tpu.memory_space<vmem>>) semaphore(%arg12 : memref<!tpu.dma_semaphore, #tpu.memory_space<semaphore_mem>>)
      %gt3A_82 = arith.constant 0 : i32
      %gt3A_83 = arith.cmpi sgt, %scan3A_66, %gt3A_82 : i32
      %convert_element_type3A_84 = arith.extui %gt3A_83 : i1 to i32
      %cond3A_85 = arith.constant 0 : i32
      %cond3A_86 = arith.cmpi ne, %convert_element_type3A_84, %cond3A_85 : i32
      scf.if %cond3A_86 {
        %sub3A = arith.constant 2 : i32
        %sub3A_117 = arith.subi %add3A_72, %sub3A : i32
        %dma_wait3A_118 = arith.constant 0 : i32
        %dma_wait3A_119 = tpu.memref_slice %arg8[%sub3A_117, %dma_wait3A_118] : memref<40x125xi32, #tpu.memory_space<vmem>> -> memref<1x125xi32, #tpu.memory_space<vmem>>
        %dma_wait3A_120 = tpu.memref_squeeze %dma_wait3A_119 : memref<1x125xi32, #tpu.memory_space<vmem>> -> memref<125xi32, #tpu.memory_space<vmem>>
        %dma_wait3A_121 = arith.constant 0 : i32
        %dma_wait3A_122 = arith.constant 0 : i32
        %dma_wait3A_123 = tpu.memref_slice %arg11[%dma_wait3A_121, %dma_wait3A_122] : memref<10000x128xf32, #tpu.memory_space<vmem_shared>> -> memref<10000x128xf32, #tpu.memory_space<vmem_shared>>
        tpu.wait_indirect_dma semaphore(%arg15 : memref<!tpu.dma_semaphore, #tpu.memory_space<semaphore_mem>>) src(%arg10 : memref<125x128xf32, #tpu.memory_space<vmem>>) dst(%dma_wait3A_123 : memref<10000x128xf32, #tpu.memory_space<vmem_shared>>)
      } else {
      }
      %dma_start3A_87 = arith.constant 0 : i32
      %dma_start3A_88 = tpu.memref_slice %arg7[%add3A_72, %dma_start3A_87] : memref<40x125xi32, #tpu.memory_space<vmem>> -> memref<1x125xi32, #tpu.memory_space<vmem>>
      %dma_start3A_89 = tpu.memref_squeeze %dma_start3A_88 : memref<1x125xi32, #tpu.memory_space<vmem>> -> memref<125xi32, #tpu.memory_space<vmem>>
      %dma_start3A_90 = arith.constant 0 : i32
      %dma_start3A_91 = arith.constant 0 : i32
      %dma_start3A_92 = tpu.memref_slice %arg2[%dma_start3A_90, %dma_start3A_91] : memref<10000x128xf32, #tpu.memory_space<hbm>> -> memref<10000x128xf32, #tpu.memory_space<hbm>>
      tpu.enqueue_indirect_dma source(%dma_start3A_92 : memref<10000x128xf32, #tpu.memory_space<hbm>>) target(%arg10 : memref<125x128xf32, #tpu.memory_space<vmem>>) offsets(%dma_start3A_89 : memref<125xi32, #tpu.memory_space<vmem>>) semaphore(%arg13 : memref<!tpu.dma_semaphore, #tpu.memory_space<semaphore_mem>>)
      %dma_wait3A_93 = arith.constant 0 : i32
      %dma_wait3A_94 = tpu.memref_slice %arg7[%mul3A_68, %dma_wait3A_93] : memref<40x125xi32, #tpu.memory_space<vmem>> -> memref<1x125xi32, #tpu.memory_space<vmem>>
      %dma_wait3A_95 = tpu.memref_squeeze %dma_wait3A_94 : memref<1x125xi32, #tpu.memory_space<vmem>> -> memref<125xi32, #tpu.memory_space<vmem>>
      %dma_wait3A_96 = arith.constant 0 : i32
      %dma_wait3A_97 = arith.constant 0 : i32
      %dma_wait3A_98 = tpu.memref_slice %arg2[%dma_wait3A_96, %dma_wait3A_97] : memref<10000x128xf32, #tpu.memory_space<hbm>> -> memref<10000x128xf32, #tpu.memory_space<hbm>>
      tpu.wait_indirect_dma semaphore(%arg12 : memref<!tpu.dma_semaphore, #tpu.memory_space<semaphore_mem>>) src(%dma_wait3A_98 : memref<10000x128xf32, #tpu.memory_space<hbm>>) dst(%arg9 : memref<125x128xf32, #tpu.memory_space<vmem>>)
      %dma_start3A_99 = arith.constant 0 : i32
      %dma_start3A_100 = tpu.memref_slice %arg8[%mul3A_68, %dma_start3A_99] : memref<40x125xi32, #tpu.memory_space<vmem>> -> memref<1x125xi32, #tpu.memory_space<vmem>>
      %dma_start3A_101 = tpu.memref_squeeze %dma_start3A_100 : memref<1x125xi32, #tpu.memory_space<vmem>> -> memref<125xi32, #tpu.memory_space<vmem>>
      %dma_start3A_102 = arith.constant 0 : i32
      %dma_start3A_103 = arith.constant 0 : i32
      %dma_start3A_104 = tpu.memref_slice %arg11[%dma_start3A_102, %dma_start3A_103] : memref<10000x128xf32, #tpu.memory_space<vmem_shared>> -> memref<10000x128xf32, #tpu.memory_space<vmem_shared>>
      tpu.enqueue_indirect_dma source(%arg9 : memref<125x128xf32, #tpu.memory_space<vmem>>) target(%dma_start3A_104 : memref<10000x128xf32, #tpu.memory_space<vmem_shared>>) offsets(%dma_start3A_101 : memref<125xi32, #tpu.memory_space<vmem>>) semaphore(%arg14 : memref<!tpu.dma_semaphore, #tpu.memory_space<semaphore_mem>>) {add = true}
      %dma_wait3A_105 = arith.constant 0 : i32
      %dma_wait3A_106 = tpu.memref_slice %arg7[%add3A_72, %dma_wait3A_105] : memref<40x125xi32, #tpu.memory_space<vmem>> -> memref<1x125xi32, #tpu.memory_space<vmem>>
      %dma_wait3A_107 = tpu.memref_squeeze %dma_wait3A_106 : memref<1x125xi32, #tpu.memory_space<vmem>> -> memref<125xi32, #tpu.memory_space<vmem>>
      %dma_wait3A_108 = arith.constant 0 : i32
      %dma_wait3A_109 = arith.constant 0 : i32
      %dma_wait3A_110 = tpu.memref_slice %arg2[%dma_wait3A_108, %dma_wait3A_109] : memref<10000x128xf32, #tpu.memory_space<hbm>> -> memref<10000x128xf32, #tpu.memory_space<hbm>>
      tpu.wait_indirect_dma semaphore(%arg13 : memref<!tpu.dma_semaphore, #tpu.memory_space<semaphore_mem>>) src(%dma_wait3A_110 : memref<10000x128xf32, #tpu.memory_space<hbm>>) dst(%arg10 : memref<125x128xf32, #tpu.memory_space<vmem>>)
      %dma_start3A_111 = arith.constant 0 : i32
      %dma_start3A_112 = tpu.memref_slice %arg8[%add3A_72, %dma_start3A_111] : memref<40x125xi32, #tpu.memory_space<vmem>> -> memref<1x125xi32, #tpu.memory_space<vmem>>
      %dma_start3A_113 = tpu.memref_squeeze %dma_start3A_112 : memref<1x125xi32, #tpu.memory_space<vmem>> -> memref<125xi32, #tpu.memory_space<vmem>>
      %dma_start3A_114 = arith.constant 0 : i32
      %dma_start3A_115 = arith.constant 0 : i32
      %dma_start3A_116 = tpu.memref_slice %arg11[%dma_start3A_114, %dma_start3A_115] : memref<10000x128xf32, #tpu.memory_space<vmem_shared>> -> memref<10000x128xf32, #tpu.memory_space<vmem_shared>>
      tpu.enqueue_indirect_dma source(%arg10 : memref<125x128xf32, #tpu.memory_space<vmem>>) target(%dma_start3A_116 : memref<10000x128xf32, #tpu.memory_space<vmem_shared>>) offsets(%dma_start3A_113 : memref<125xi32, #tpu.memory_space<vmem>>) semaphore(%arg15 : memref<!tpu.dma_semaphore, #tpu.memory_space<semaphore_mem>>) {add = true}
    }
    %scan3A_40 = arith.constant 20 : i32
    %dma_wait3A_41 = arith.constant 38 : i32
    %dma_wait3A_42 = arith.constant 0 : i32
    %dma_wait3A_43 = tpu.memref_slice %arg8[%dma_wait3A_41, %dma_wait3A_42] : memref<40x125xi32, #tpu.memory_space<vmem>> -> memref<1x125xi32, #tpu.memory_space<vmem>>
    %dma_wait3A_44 = tpu.memref_squeeze %dma_wait3A_43 : memref<1x125xi32, #tpu.memory_space<vmem>> -> memref<125xi32, #tpu.memory_space<vmem>>
    %dma_wait3A_45 = arith.constant 0 : i32
    %dma_wait3A_46 = arith.constant 0 : i32
    %dma_wait3A_47 = tpu.memref_slice %arg11[%dma_wait3A_45, %dma_wait3A_46] : memref<10000x128xf32, #tpu.memory_space<vmem_shared>> -> memref<10000x128xf32, #tpu.memory_space<vmem_shared>>
    tpu.wait_indirect_dma semaphore(%arg14 : memref<!tpu.dma_semaphore, #tpu.memory_space<semaphore_mem>>) src(%arg9 : memref<125x128xf32, #tpu.memory_space<vmem>>) dst(%dma_wait3A_47 : memref<10000x128xf32, #tpu.memory_space<vmem_shared>>)
    %dma_wait3A_48 = arith.constant 39 : i32
    %dma_wait3A_49 = arith.constant 0 : i32
    %dma_wait3A_50 = tpu.memref_slice %arg8[%dma_wait3A_48, %dma_wait3A_49] : memref<40x125xi32, #tpu.memory_space<vmem>> -> memref<1x125xi32, #tpu.memory_space<vmem>>
    %dma_wait3A_51 = tpu.memref_squeeze %dma_wait3A_50 : memref<1x125xi32, #tpu.memory_space<vmem>> -> memref<125xi32, #tpu.memory_space<vmem>>
    %dma_wait3A_52 = arith.constant 0 : i32
    %dma_wait3A_53 = arith.constant 0 : i32
    %dma_wait3A_54 = tpu.memref_slice %arg11[%dma_wait3A_52, %dma_wait3A_53] : memref<10000x128xf32, #tpu.memory_space<vmem_shared>> -> memref<10000x128xf32, #tpu.memory_space<vmem_shared>>
    tpu.wait_indirect_dma semaphore(%arg15 : memref<!tpu.dma_semaphore, #tpu.memory_space<semaphore_mem>>) src(%arg10 : memref<125x128xf32, #tpu.memory_space<vmem>>) dst(%dma_wait3A_54 : memref<10000x128xf32, #tpu.memory_space<vmem_shared>>)
    %barrier3A_55 = arith.constant 0 : index
    tpu.barrier barrier_id(%barrier3A_55)
    %lt3A_56 = arith.constant 15 : i32
    %lt3A_57 = arith.cmpi slt, %arg1, %lt3A_56 : i32
    %convert_element_type3A_58 = arith.extui %lt3A_57 : i1 to i32
    %cond3A_59 = arith.constant 0 : i32
    %cond3A_60 = arith.cmpi ne, %convert_element_type3A_58, %cond3A_59 : i32
    scf.if %cond3A_60 {
      %mul3A_66 = arith.constant 632 : i32
      %mul3A_67 = arith.muli %arg1, %mul3A_66 : i32
      "tpu.region"() ({
        %run_scoped3A = tpu.sem_alloc : memref<!tpu.dma_semaphore, #tpu.memory_space<semaphore_mem>>
        %dma_start3A = arith.constant 0 : i32
        %dma_start3A_68 = arith.constant 0 : i32
        %dma_start3A_69 = tpu.memref_slice %arg6[%arg0, %dma_start3A, %dma_start3A_68] : memref<2x10000x128xf32, #tpu.memory_space<hbm>> -> memref<1x10000x128xf32, #tpu.memory_space<hbm>>
        %dma_start3A_70 = tpu.memref_squeeze %dma_start3A_69 : memref<1x10000x128xf32, #tpu.memory_space<hbm>> -> memref<10000x128xf32, #tpu.memory_space<hbm>>
        %dma_start3A_71 = arith.constant 0 : i32
        %dma_start3A_72 = tpu.memref_slice %dma_start3A_70[%mul3A_67, %dma_start3A_71] : memref<10000x128xf32, #tpu.memory_space<hbm>> -> memref<632x128xf32, #tpu.memory_space<hbm>>
        %dma_start3A_73 = arith.constant 0 : i32
        %dma_start3A_74 = tpu.memref_slice %arg11[%mul3A_67, %dma_start3A_73] : memref<10000x128xf32, #tpu.memory_space<vmem_shared>> -> memref<632x128xf32, #tpu.memory_space<vmem_shared>>
        tpu.enqueue_dma source(%dma_start3A_74 : memref<632x128xf32, #tpu.memory_space<vmem_shared>>) target(%dma_start3A_72 : memref<632x128xf32, #tpu.memory_space<hbm>>) target_semaphore(%run_scoped3A : memref<!tpu.dma_semaphore, #tpu.memory_space<semaphore_mem>>)
        %dma_wait3A_75 = arith.constant 0 : i32
        %dma_wait3A_76 = arith.constant 0 : i32
        %dma_wait3A_77 = tpu.memref_slice %arg6[%arg0, %dma_wait3A_75, %dma_wait3A_76] : memref<2x10000x128xf32, #tpu.memory_space<hbm>> -> memref<1x10000x128xf32, #tpu.memory_space<hbm>>
        %dma_wait3A_78 = tpu.memref_squeeze %dma_wait3A_77 : memref<1x10000x128xf32, #tpu.memory_space<hbm>> -> memref<10000x128xf32, #tpu.memory_space<hbm>>
        %dma_wait3A_79 = arith.constant 0 : i32
        %dma_wait3A_80 = tpu.memref_slice %dma_wait3A_78[%mul3A_67, %dma_wait3A_79] : memref<10000x128xf32, #tpu.memory_space<hbm>> -> memref<632x128xf32, #tpu.memory_space<hbm>>
        %dma_wait3A_81 = arith.constant 0 : i32
        %dma_wait3A_82 = tpu.memref_slice %arg11[%mul3A_67, %dma_wait3A_81] : memref<10000x128xf32, #tpu.memory_space<vmem_shared>> -> memref<632x128xf32, #tpu.memory_space<vmem_shared>>
        tpu.wait_dma2 semaphore(%run_scoped3A : memref<!tpu.dma_semaphore, #tpu.memory_space<semaphore_mem>>) src(%dma_wait3A_82 : memref<632x128xf32, #tpu.memory_space<vmem_shared>>) dst(%dma_wait3A_80 : memref<632x128xf32, #tpu.memory_space<hbm>>)
        tpu.yield
      }) : () -> ()
    } else {
    }
    %eq3A_61 = arith.constant 15 : i32
    %eq3A_62 = arith.cmpi eq, %arg1, %eq3A_61 : i32
    %convert_element_type3A_63 = arith.extui %eq3A_62 : i1 to i32
    %cond3A_64 = arith.constant 0 : i32
    %cond3A_65 = arith.cmpi ne, %convert_element_type3A_63, %cond3A_64 : i32
    scf.if %cond3A_65 {
      "tpu.region"() ({
        %run_scoped3A = tpu.sem_alloc : memref<!tpu.dma_semaphore, #tpu.memory_space<semaphore_mem>>
        %dma_start3A = arith.constant 0 : i32
        %dma_start3A_66 = arith.constant 0 : i32
        %dma_start3A_67 = tpu.memref_slice %arg6[%arg0, %dma_start3A, %dma_start3A_66] : memref<2x10000x128xf32, #tpu.memory_space<hbm>> -> memref<1x10000x128xf32, #tpu.memory_space<hbm>>
        %dma_start3A_68 = tpu.memref_squeeze %dma_start3A_67 : memref<1x10000x128xf32, #tpu.memory_space<hbm>> -> memref<10000x128xf32, #tpu.memory_space<hbm>>
        %dma_start3A_69 = arith.constant 9480 : i32
        %dma_start3A_70 = arith.constant 0 : i32
        %dma_start3A_71 = tpu.memref_slice %dma_start3A_68[%dma_start3A_69, %dma_start3A_70] : memref<10000x128xf32, #tpu.memory_space<hbm>> -> memref<520x128xf32, #tpu.memory_space<hbm>>
        %dma_start3A_72 = arith.constant 9480 : i32
        %dma_start3A_73 = arith.constant 0 : i32
        %dma_start3A_74 = tpu.memref_slice %arg11[%dma_start3A_72, %dma_start3A_73] : memref<10000x128xf32, #tpu.memory_space<vmem_shared>> -> memref<520x128xf32, #tpu.memory_space<vmem_shared>>
        tpu.enqueue_dma source(%dma_start3A_74 : memref<520x128xf32, #tpu.memory_space<vmem_shared>>) target(%dma_start3A_71 : memref<520x128xf32, #tpu.memory_space<hbm>>) target_semaphore(%run_scoped3A : memref<!tpu.dma_semaphore, #tpu.memory_space<semaphore_mem>>)
        %dma_wait3A_75 = arith.constant 0 : i32
        %dma_wait3A_76 = arith.constant 0 : i32
        %dma_wait3A_77 = tpu.memref_slice %arg6[%arg0, %dma_wait3A_75, %dma_wait3A_76] : memref<2x10000x128xf32, #tpu.memory_space<hbm>> -> memref<1x10000x128xf32, #tpu.memory_space<hbm>>
        %dma_wait3A_78 = tpu.memref_squeeze %dma_wait3A_77 : memref<1x10000x128xf32, #tpu.memory_space<hbm>> -> memref<10000x128xf32, #tpu.memory_space<hbm>>
        %dma_wait3A_79 = arith.constant 9480 : i32
        %dma_wait3A_80 = arith.constant 0 : i32
        %dma_wait3A_81 = tpu.memref_slice %dma_wait3A_78[%dma_wait3A_79, %dma_wait3A_80] : memref<10000x128xf32, #tpu.memory_space<hbm>> -> memref<520x128xf32, #tpu.memory_space<hbm>>
        %dma_wait3A_82 = arith.constant 9480 : i32
        %dma_wait3A_83 = arith.constant 0 : i32
        %dma_wait3A_84 = tpu.memref_slice %arg11[%dma_wait3A_82, %dma_wait3A_83] : memref<10000x128xf32, #tpu.memory_space<vmem_shared>> -> memref<520x128xf32, #tpu.memory_space<vmem_shared>>
        tpu.wait_dma2 semaphore(%run_scoped3A : memref<!tpu.dma_semaphore, #tpu.memory_space<semaphore_mem>>) src(%dma_wait3A_84 : memref<520x128xf32, #tpu.memory_space<vmem_shared>>) dst(%dma_wait3A_81 : memref<520x128xf32, #tpu.memory_space<hbm>>)
        tpu.yield
      }) : () -> ()
    } else {
    }
    return
  }
}

#map = affine_map<(d0, d1) -> (0, 0, 0)>
#map1 = affine_map<(d0, d1) -> (0, 0)>
module attributes {stable_mosaic.version = 14 : i64} {
  func.func @_deg_kernel(%arg0: i32, %arg1: i32, %arg2: memref<32x80x125xi32, #tpu.memory_space<hbm>>, %arg3: memref<125x16xf32, #tpu.memory_space<hbm>>, %arg4: memref<10000x16xf32, #tpu.memory_space<hbm>>, %arg5: memref<2x10000x16xf32, #tpu.memory_space<hbm>>, %arg6: memref<80x125xi32, #tpu.memory_space<vmem>>, %arg7: memref<125x16xf32, #tpu.memory_space<vmem>>, %arg8: memref<10000x16xf32, #tpu.memory_space<vmem_shared>>, %arg9: memref<!tpu.dma_semaphore, #tpu.memory_space<semaphore_mem>>) attributes {dimension_semantics = [#tpu.dimension_semantics<core_parallel>, #tpu.dimension_semantics<subcore_parallel>], iteration_bounds = array<i64: 2, 16>, scalar_prefetch = 0 : i64, scratch_operands = 4 : i64, tpu.core_type = #tpu.core_type<sc_vector_subcore>, window_params = [{transform_indices = #map}, {transform_indices = #map1}, {transform_indices = #map1}, {transform_indices = #map}]} {
    %mul3A = arith.constant 16 : i32
    %mul3A_0 = arith.muli %arg0, %mul3A : i32
    %add3A = arith.addi %mul3A_0, %arg1 : i32
    %lt3A = arith.constant 15 : i32
    %lt3A_1 = arith.cmpi slt, %arg1, %lt3A : i32
    %convert_element_type3A = arith.extui %lt3A_1 : i1 to i32
    %cond3A = arith.constant 0 : i32
    %cond3A_2 = arith.cmpi ne, %convert_element_type3A, %cond3A : i32
    scf.if %cond3A_2 {
      %mul3A_39 = arith.constant 632 : i32
      %mul3A_40 = arith.muli %arg1, %mul3A_39 : i32
      %dma_start3A = arith.constant 0 : i32
      %dma_start3A_41 = tpu.memref_slice %arg8[%mul3A_40, %dma_start3A] : memref<10000x16xf32, #tpu.memory_space<vmem_shared>> -> memref<632x16xf32, #tpu.memory_space<vmem_shared>>
      %dma_start3A_42 = arith.constant 0 : i32
      %dma_start3A_43 = tpu.memref_slice %arg4[%mul3A_40, %dma_start3A_42] : memref<10000x16xf32, #tpu.memory_space<hbm>> -> memref<632x16xf32, #tpu.memory_space<hbm>>
      tpu.enqueue_dma source(%dma_start3A_43 : memref<632x16xf32, #tpu.memory_space<hbm>>) target(%dma_start3A_41 : memref<632x16xf32, #tpu.memory_space<vmem_shared>>) target_semaphore(%arg9 : memref<!tpu.dma_semaphore, #tpu.memory_space<semaphore_mem>>)
    } else {
    }
    %eq3A = arith.constant 15 : i32
    %eq3A_3 = arith.cmpi eq, %arg1, %eq3A : i32
    %convert_element_type3A_4 = arith.extui %eq3A_3 : i1 to i32
    %cond3A_5 = arith.constant 0 : i32
    %cond3A_6 = arith.cmpi ne, %convert_element_type3A_4, %cond3A_5 : i32
    scf.if %cond3A_6 {
      %dma_start3A = arith.constant 9480 : i32
      %dma_start3A_39 = arith.constant 0 : i32
      %dma_start3A_40 = tpu.memref_slice %arg8[%dma_start3A, %dma_start3A_39] : memref<10000x16xf32, #tpu.memory_space<vmem_shared>> -> memref<520x16xf32, #tpu.memory_space<vmem_shared>>
      %dma_start3A_41 = arith.constant 9480 : i32
      %dma_start3A_42 = arith.constant 0 : i32
      %dma_start3A_43 = tpu.memref_slice %arg4[%dma_start3A_41, %dma_start3A_42] : memref<10000x16xf32, #tpu.memory_space<hbm>> -> memref<520x16xf32, #tpu.memory_space<hbm>>
      tpu.enqueue_dma source(%dma_start3A_43 : memref<520x16xf32, #tpu.memory_space<hbm>>) target(%dma_start3A_40 : memref<520x16xf32, #tpu.memory_space<vmem_shared>>) target_semaphore(%arg9 : memref<!tpu.dma_semaphore, #tpu.memory_space<semaphore_mem>>)
    } else {
    }
    "tpu.region"() ({
      %run_scoped3A = tpu.sem_alloc : memref<!tpu.dma_semaphore, #tpu.memory_space<semaphore_mem>>
      tpu.enqueue_dma source(%arg3 : memref<125x16xf32, #tpu.memory_space<hbm>>) target(%arg7 : memref<125x16xf32, #tpu.memory_space<vmem>>) target_semaphore(%run_scoped3A : memref<!tpu.dma_semaphore, #tpu.memory_space<semaphore_mem>>)
      tpu.wait_dma2 semaphore(%run_scoped3A : memref<!tpu.dma_semaphore, #tpu.memory_space<semaphore_mem>>) src(%arg3 : memref<125x16xf32, #tpu.memory_space<hbm>>) dst(%arg7 : memref<125x16xf32, #tpu.memory_space<vmem>>)
      tpu.yield
    }) : () -> ()
    "tpu.region"() ({
      %run_scoped3A = tpu.sem_alloc : memref<!tpu.dma_semaphore, #tpu.memory_space<semaphore_mem>>
      %dma_start3A = arith.constant 0 : i32
      %dma_start3A_39 = arith.constant 0 : i32
      %dma_start3A_40 = tpu.memref_slice %arg2[%add3A, %dma_start3A, %dma_start3A_39] : memref<32x80x125xi32, #tpu.memory_space<hbm>> -> memref<1x80x125xi32, #tpu.memory_space<hbm>>
      %dma_start3A_41 = tpu.memref_squeeze %dma_start3A_40 : memref<1x80x125xi32, #tpu.memory_space<hbm>> -> memref<80x125xi32, #tpu.memory_space<hbm>>
      %dma_start3A_42 = arith.constant 0 : i32
      %dma_start3A_43 = arith.constant 0 : i32
      %dma_start3A_44 = tpu.memref_slice %arg2[%add3A, %dma_start3A_42, %dma_start3A_43] : memref<32x80x125xi32, #tpu.memory_space<hbm>> -> memref<1x80x125xi32, #tpu.memory_space<hbm>>
      %dma_start3A_45 = tpu.memref_squeeze %dma_start3A_44 : memref<1x80x125xi32, #tpu.memory_space<hbm>> -> memref<80x125xi32, #tpu.memory_space<hbm>>
      tpu.enqueue_dma source(%dma_start3A_45 : memref<80x125xi32, #tpu.memory_space<hbm>>) target(%arg6 : memref<80x125xi32, #tpu.memory_space<vmem>>) target_semaphore(%run_scoped3A : memref<!tpu.dma_semaphore, #tpu.memory_space<semaphore_mem>>)
      %dma_wait3A = arith.constant 0 : i32
      %dma_wait3A_46 = arith.constant 0 : i32
      %dma_wait3A_47 = tpu.memref_slice %arg2[%add3A, %dma_wait3A, %dma_wait3A_46] : memref<32x80x125xi32, #tpu.memory_space<hbm>> -> memref<1x80x125xi32, #tpu.memory_space<hbm>>
      %dma_wait3A_48 = tpu.memref_squeeze %dma_wait3A_47 : memref<1x80x125xi32, #tpu.memory_space<hbm>> -> memref<80x125xi32, #tpu.memory_space<hbm>>
      %dma_wait3A_49 = arith.constant 0 : i32
      %dma_wait3A_50 = arith.constant 0 : i32
      %dma_wait3A_51 = tpu.memref_slice %arg2[%add3A, %dma_wait3A_49, %dma_wait3A_50] : memref<32x80x125xi32, #tpu.memory_space<hbm>> -> memref<1x80x125xi32, #tpu.memory_space<hbm>>
      %dma_wait3A_52 = tpu.memref_squeeze %dma_wait3A_51 : memref<1x80x125xi32, #tpu.memory_space<hbm>> -> memref<80x125xi32, #tpu.memory_space<hbm>>
      tpu.wait_dma2 semaphore(%run_scoped3A : memref<!tpu.dma_semaphore, #tpu.memory_space<semaphore_mem>>) src(%dma_wait3A_52 : memref<80x125xi32, #tpu.memory_space<hbm>>) dst(%arg6 : memref<80x125xi32, #tpu.memory_space<vmem>>)
      tpu.yield
    }) : () -> ()
    %lt3A_7 = arith.constant 15 : i32
    %lt3A_8 = arith.cmpi slt, %arg1, %lt3A_7 : i32
    %convert_element_type3A_9 = arith.extui %lt3A_8 : i1 to i32
    %cond3A_10 = arith.constant 0 : i32
    %cond3A_11 = arith.cmpi ne, %convert_element_type3A_9, %cond3A_10 : i32
    scf.if %cond3A_11 {
      %mul3A_39 = arith.constant 632 : i32
      %mul3A_40 = arith.muli %arg1, %mul3A_39 : i32
      %dma_wait3A = arith.constant 0 : i32
      %dma_wait3A_41 = tpu.memref_slice %arg8[%mul3A_40, %dma_wait3A] : memref<10000x16xf32, #tpu.memory_space<vmem_shared>> -> memref<632x16xf32, #tpu.memory_space<vmem_shared>>
      %dma_wait3A_42 = arith.constant 0 : i32
      %dma_wait3A_43 = tpu.memref_slice %arg4[%mul3A_40, %dma_wait3A_42] : memref<10000x16xf32, #tpu.memory_space<hbm>> -> memref<632x16xf32, #tpu.memory_space<hbm>>
      tpu.wait_dma2 semaphore(%arg9 : memref<!tpu.dma_semaphore, #tpu.memory_space<semaphore_mem>>) src(%dma_wait3A_43 : memref<632x16xf32, #tpu.memory_space<hbm>>) dst(%dma_wait3A_41 : memref<632x16xf32, #tpu.memory_space<vmem_shared>>)
    } else {
    }
    %eq3A_12 = arith.constant 15 : i32
    %eq3A_13 = arith.cmpi eq, %arg1, %eq3A_12 : i32
    %convert_element_type3A_14 = arith.extui %eq3A_13 : i1 to i32
    %cond3A_15 = arith.constant 0 : i32
    %cond3A_16 = arith.cmpi ne, %convert_element_type3A_14, %cond3A_15 : i32
    scf.if %cond3A_16 {
      %dma_wait3A = arith.constant 9480 : i32
      %dma_wait3A_39 = arith.constant 0 : i32
      %dma_wait3A_40 = tpu.memref_slice %arg8[%dma_wait3A, %dma_wait3A_39] : memref<10000x16xf32, #tpu.memory_space<vmem_shared>> -> memref<520x16xf32, #tpu.memory_space<vmem_shared>>
      %dma_wait3A_41 = arith.constant 9480 : i32
      %dma_wait3A_42 = arith.constant 0 : i32
      %dma_wait3A_43 = tpu.memref_slice %arg4[%dma_wait3A_41, %dma_wait3A_42] : memref<10000x16xf32, #tpu.memory_space<hbm>> -> memref<520x16xf32, #tpu.memory_space<hbm>>
      tpu.wait_dma2 semaphore(%arg9 : memref<!tpu.dma_semaphore, #tpu.memory_space<semaphore_mem>>) src(%dma_wait3A_43 : memref<520x16xf32, #tpu.memory_space<hbm>>) dst(%dma_wait3A_40 : memref<520x16xf32, #tpu.memory_space<vmem_shared>>)
    } else {
    }
    %barrier3A = arith.constant 0 : index
    tpu.barrier barrier_id(%barrier3A)
    %scan3A = arith.constant 0 : i32
    %scan3A_17 = arith.constant 0 : i32
    %scan3A_18 = arith.constant 80 : i32
    %scan3A_19 = arith.addi %scan3A_17, %scan3A_18 : i32
    %scan3A_20 = arith.constant 1 : i32
    scf.for %scan3A_39 = %scan3A_17 to %scan3A_19 step %scan3A_20  : i32 {
      %dma_start3A = arith.constant 0 : i32
      %dma_start3A_40 = tpu.memref_slice %arg6[%scan3A_39, %dma_start3A] : memref<80x125xi32, #tpu.memory_space<vmem>> -> memref<1x125xi32, #tpu.memory_space<vmem>>
      %dma_start3A_41 = tpu.memref_squeeze %dma_start3A_40 : memref<1x125xi32, #tpu.memory_space<vmem>> -> memref<125xi32, #tpu.memory_space<vmem>>
      %dma_start3A_42 = arith.constant 0 : i32
      %dma_start3A_43 = arith.constant 0 : i32
      %dma_start3A_44 = tpu.memref_slice %arg8[%dma_start3A_42, %dma_start3A_43] : memref<10000x16xf32, #tpu.memory_space<vmem_shared>> -> memref<10000x16xf32, #tpu.memory_space<vmem_shared>>
      tpu.enqueue_indirect_dma source(%arg7 : memref<125x16xf32, #tpu.memory_space<vmem>>) target(%dma_start3A_44 : memref<10000x16xf32, #tpu.memory_space<vmem_shared>>) offsets(%dma_start3A_41 : memref<125xi32, #tpu.memory_space<vmem>>) semaphore(%arg9 : memref<!tpu.dma_semaphore, #tpu.memory_space<semaphore_mem>>) {add = true}
    }
    %scan3A_21 = arith.constant 80 : i32
    %scan3A_22 = arith.constant 0 : i32
    %scan3A_23 = arith.constant 0 : i32
    %scan3A_24 = arith.constant 80 : i32
    %scan3A_25 = arith.addi %scan3A_23, %scan3A_24 : i32
    %scan3A_26 = arith.constant 1 : i32
    scf.for %scan3A_39 = %scan3A_23 to %scan3A_25 step %scan3A_26  : i32 {
      %dma_wait3A = arith.constant 0 : i32
      %dma_wait3A_40 = tpu.memref_slice %arg6[%scan3A_39, %dma_wait3A] : memref<80x125xi32, #tpu.memory_space<vmem>> -> memref<1x125xi32, #tpu.memory_space<vmem>>
      %dma_wait3A_41 = tpu.memref_squeeze %dma_wait3A_40 : memref<1x125xi32, #tpu.memory_space<vmem>> -> memref<125xi32, #tpu.memory_space<vmem>>
      %dma_wait3A_42 = arith.constant 0 : i32
      %dma_wait3A_43 = arith.constant 0 : i32
      %dma_wait3A_44 = tpu.memref_slice %arg8[%dma_wait3A_42, %dma_wait3A_43] : memref<10000x16xf32, #tpu.memory_space<vmem_shared>> -> memref<10000x16xf32, #tpu.memory_space<vmem_shared>>
      tpu.wait_indirect_dma semaphore(%arg9 : memref<!tpu.dma_semaphore, #tpu.memory_space<semaphore_mem>>) src(%arg7 : memref<125x16xf32, #tpu.memory_space<vmem>>) dst(%dma_wait3A_44 : memref<10000x16xf32, #tpu.memory_space<vmem_shared>>)
    }
    %scan3A_27 = arith.constant 80 : i32
    %barrier3A_28 = arith.constant 0 : index
    tpu.barrier barrier_id(%barrier3A_28)
    %lt3A_29 = arith.constant 15 : i32
    %lt3A_30 = arith.cmpi slt, %arg1, %lt3A_29 : i32
    %convert_element_type3A_31 = arith.extui %lt3A_30 : i1 to i32
    %cond3A_32 = arith.constant 0 : i32
    %cond3A_33 = arith.cmpi ne, %convert_element_type3A_31, %cond3A_32 : i32
    scf.if %cond3A_33 {
      %mul3A_39 = arith.constant 632 : i32
      %mul3A_40 = arith.muli %arg1, %mul3A_39 : i32
      "tpu.region"() ({
        %run_scoped3A = tpu.sem_alloc : memref<!tpu.dma_semaphore, #tpu.memory_space<semaphore_mem>>
        %dma_start3A = arith.constant 0 : i32
        %dma_start3A_41 = arith.constant 0 : i32
        %dma_start3A_42 = tpu.memref_slice %arg5[%arg0, %dma_start3A, %dma_start3A_41] : memref<2x10000x16xf32, #tpu.memory_space<hbm>> -> memref<1x10000x16xf32, #tpu.memory_space<hbm>>
        %dma_start3A_43 = tpu.memref_squeeze %dma_start3A_42 : memref<1x10000x16xf32, #tpu.memory_space<hbm>> -> memref<10000x16xf32, #tpu.memory_space<hbm>>
        %dma_start3A_44 = arith.constant 0 : i32
        %dma_start3A_45 = tpu.memref_slice %dma_start3A_43[%mul3A_40, %dma_start3A_44] : memref<10000x16xf32, #tpu.memory_space<hbm>> -> memref<632x16xf32, #tpu.memory_space<hbm>>
        %dma_start3A_46 = arith.constant 0 : i32
        %dma_start3A_47 = tpu.memref_slice %arg8[%mul3A_40, %dma_start3A_46] : memref<10000x16xf32, #tpu.memory_space<vmem_shared>> -> memref<632x16xf32, #tpu.memory_space<vmem_shared>>
        tpu.enqueue_dma source(%dma_start3A_47 : memref<632x16xf32, #tpu.memory_space<vmem_shared>>) target(%dma_start3A_45 : memref<632x16xf32, #tpu.memory_space<hbm>>) target_semaphore(%run_scoped3A : memref<!tpu.dma_semaphore, #tpu.memory_space<semaphore_mem>>)
        %dma_wait3A = arith.constant 0 : i32
        %dma_wait3A_48 = arith.constant 0 : i32
        %dma_wait3A_49 = tpu.memref_slice %arg5[%arg0, %dma_wait3A, %dma_wait3A_48] : memref<2x10000x16xf32, #tpu.memory_space<hbm>> -> memref<1x10000x16xf32, #tpu.memory_space<hbm>>
        %dma_wait3A_50 = tpu.memref_squeeze %dma_wait3A_49 : memref<1x10000x16xf32, #tpu.memory_space<hbm>> -> memref<10000x16xf32, #tpu.memory_space<hbm>>
        %dma_wait3A_51 = arith.constant 0 : i32
        %dma_wait3A_52 = tpu.memref_slice %dma_wait3A_50[%mul3A_40, %dma_wait3A_51] : memref<10000x16xf32, #tpu.memory_space<hbm>> -> memref<632x16xf32, #tpu.memory_space<hbm>>
        %dma_wait3A_53 = arith.constant 0 : i32
        %dma_wait3A_54 = tpu.memref_slice %arg8[%mul3A_40, %dma_wait3A_53] : memref<10000x16xf32, #tpu.memory_space<vmem_shared>> -> memref<632x16xf32, #tpu.memory_space<vmem_shared>>
        tpu.wait_dma2 semaphore(%run_scoped3A : memref<!tpu.dma_semaphore, #tpu.memory_space<semaphore_mem>>) src(%dma_wait3A_54 : memref<632x16xf32, #tpu.memory_space<vmem_shared>>) dst(%dma_wait3A_52 : memref<632x16xf32, #tpu.memory_space<hbm>>)
        tpu.yield
      }) : () -> ()
    } else {
    }
    %eq3A_34 = arith.constant 15 : i32
    %eq3A_35 = arith.cmpi eq, %arg1, %eq3A_34 : i32
    %convert_element_type3A_36 = arith.extui %eq3A_35 : i1 to i32
    %cond3A_37 = arith.constant 0 : i32
    %cond3A_38 = arith.cmpi ne, %convert_element_type3A_36, %cond3A_37 : i32
    scf.if %cond3A_38 {
      "tpu.region"() ({
        %run_scoped3A = tpu.sem_alloc : memref<!tpu.dma_semaphore, #tpu.memory_space<semaphore_mem>>
        %dma_start3A = arith.constant 0 : i32
        %dma_start3A_39 = arith.constant 0 : i32
        %dma_start3A_40 = tpu.memref_slice %arg5[%arg0, %dma_start3A, %dma_start3A_39] : memref<2x10000x16xf32, #tpu.memory_space<hbm>> -> memref<1x10000x16xf32, #tpu.memory_space<hbm>>
        %dma_start3A_41 = tpu.memref_squeeze %dma_start3A_40 : memref<1x10000x16xf32, #tpu.memory_space<hbm>> -> memref<10000x16xf32, #tpu.memory_space<hbm>>
        %dma_start3A_42 = arith.constant 9480 : i32
        %dma_start3A_43 = arith.constant 0 : i32
        %dma_start3A_44 = tpu.memref_slice %dma_start3A_41[%dma_start3A_42, %dma_start3A_43] : memref<10000x16xf32, #tpu.memory_space<hbm>> -> memref<520x16xf32, #tpu.memory_space<hbm>>
        %dma_start3A_45 = arith.constant 9480 : i32
        %dma_start3A_46 = arith.constant 0 : i32
        %dma_start3A_47 = tpu.memref_slice %arg8[%dma_start3A_45, %dma_start3A_46] : memref<10000x16xf32, #tpu.memory_space<vmem_shared>> -> memref<520x16xf32, #tpu.memory_space<vmem_shared>>
        tpu.enqueue_dma source(%dma_start3A_47 : memref<520x16xf32, #tpu.memory_space<vmem_shared>>) target(%dma_start3A_44 : memref<520x16xf32, #tpu.memory_space<hbm>>) target_semaphore(%run_scoped3A : memref<!tpu.dma_semaphore, #tpu.memory_space<semaphore_mem>>)
        %dma_wait3A = arith.constant 0 : i32
        %dma_wait3A_48 = arith.constant 0 : i32
        %dma_wait3A_49 = tpu.memref_slice %arg5[%arg0, %dma_wait3A, %dma_wait3A_48] : memref<2x10000x16xf32, #tpu.memory_space<hbm>> -> memref<1x10000x16xf32, #tpu.memory_space<hbm>>
        %dma_wait3A_50 = tpu.memref_squeeze %dma_wait3A_49 : memref<1x10000x16xf32, #tpu.memory_space<hbm>> -> memref<10000x16xf32, #tpu.memory_space<hbm>>
        %dma_wait3A_51 = arith.constant 9480 : i32
        %dma_wait3A_52 = arith.constant 0 : i32
        %dma_wait3A_53 = tpu.memref_slice %dma_wait3A_50[%dma_wait3A_51, %dma_wait3A_52] : memref<10000x16xf32, #tpu.memory_space<hbm>> -> memref<520x16xf32, #tpu.memory_space<hbm>>
        %dma_wait3A_54 = arith.constant 9480 : i32
        %dma_wait3A_55 = arith.constant 0 : i32
        %dma_wait3A_56 = tpu.memref_slice %arg8[%dma_wait3A_54, %dma_wait3A_55] : memref<10000x16xf32, #tpu.memory_space<vmem_shared>> -> memref<520x16xf32, #tpu.memory_space<vmem_shared>>
        tpu.wait_dma2 semaphore(%run_scoped3A : memref<!tpu.dma_semaphore, #tpu.memory_space<semaphore_mem>>) src(%dma_wait3A_56 : memref<520x16xf32, #tpu.memory_space<vmem_shared>>) dst(%dma_wait3A_53 : memref<520x16xf32, #tpu.memory_space<hbm>>)
        tpu.yield
      }) : () -> ()
    } else {
    }
    return
  }
}

#map = affine_map<(d0, d1) -> (0, 0)>
#map1 = affine_map<(d0, d1) -> (0, 0, 0)>
module attributes {stable_mosaic.version = 14 : i64} {
  func.func @_spmm_kernel(%arg0: i32, %arg1: i32, %arg2: memref<10000x128xf32, #tpu.memory_space<hbm>>, %arg3: memref<32x80x125xi32, #tpu.memory_space<hbm>>, %arg4: memref<32x80x125xi32, #tpu.memory_space<hbm>>, %arg5: memref<10000x128xf32, #tpu.memory_space<hbm>>, %arg6: memref<2x10000x128xf32, #tpu.memory_space<hbm>>, %arg7: memref<40x125xi32, #tpu.memory_space<vmem>>, %arg8: memref<40x125xi32, #tpu.memory_space<vmem>>, %arg9: memref<125x128xf32, #tpu.memory_space<vmem>>, %arg10: memref<125x128xf32, #tpu.memory_space<vmem>>, %arg11: memref<10000x128xf32, #tpu.memory_space<vmem_shared>>, %arg12: memref<!tpu.dma_semaphore, #tpu.memory_space<semaphore_mem>>, %arg13: memref<!tpu.dma_semaphore, #tpu.memory_space<semaphore_mem>>, %arg14: memref<!tpu.dma_semaphore, #tpu.memory_space<semaphore_mem>>, %arg15: memref<!tpu.dma_semaphore, #tpu.memory_space<semaphore_mem>>) attributes {dimension_semantics = [#tpu.dimension_semantics<core_parallel>, #tpu.dimension_semantics<subcore_parallel>], iteration_bounds = array<i64: 2, 16>, scalar_prefetch = 0 : i64, scratch_operands = 9 : i64, tpu.core_type = #tpu.core_type<sc_vector_subcore>, window_params = [{transform_indices = #map}, {transform_indices = #map1}, {transform_indices = #map1}, {transform_indices = #map}, {transform_indices = #map1}]} {
    %mul3A = arith.constant 16 : i32
    %mul3A_0 = arith.muli %arg0, %mul3A : i32
    %add3A = arith.addi %mul3A_0, %arg1 : i32
    %lt3A = arith.constant 15 : i32
    %lt3A_1 = arith.cmpi slt, %arg1, %lt3A : i32
    %convert_element_type3A = arith.extui %lt3A_1 : i1 to i32
    %cond3A = arith.constant 0 : i32
    %cond3A_2 = arith.cmpi ne, %convert_element_type3A, %cond3A : i32
    scf.if %cond3A_2 {
      %mul3A_66 = arith.constant 632 : i32
      %mul3A_67 = arith.muli %arg1, %mul3A_66 : i32
      %dma_start3A = arith.constant 0 : i32
      %dma_start3A_68 = tpu.memref_slice %arg11[%mul3A_67, %dma_start3A] : memref<10000x128xf32, #tpu.memory_space<vmem_shared>> -> memref<632x128xf32, #tpu.memory_space<vmem_shared>>
      %dma_start3A_69 = arith.constant 0 : i32
      %dma_start3A_70 = tpu.memref_slice %arg5[%mul3A_67, %dma_start3A_69] : memref<10000x128xf32, #tpu.memory_space<hbm>> -> memref<632x128xf32, #tpu.memory_space<hbm>>
      tpu.enqueue_dma source(%dma_start3A_70 : memref<632x128xf32, #tpu.memory_space<hbm>>) target(%dma_start3A_68 : memref<632x128xf32, #tpu.memory_space<vmem_shared>>) target_semaphore(%arg12 : memref<!tpu.dma_semaphore, #tpu.memory_space<semaphore_mem>>)
    } else {
    }
    %eq3A = arith.constant 15 : i32
    %eq3A_3 = arith.cmpi eq, %arg1, %eq3A : i32
    %convert_element_type3A_4 = arith.extui %eq3A_3 : i1 to i32
    %cond3A_5 = arith.constant 0 : i32
    %cond3A_6 = arith.cmpi ne, %convert_element_type3A_4, %cond3A_5 : i32
    scf.if %cond3A_6 {
      %dma_start3A = arith.constant 9480 : i32
      %dma_start3A_66 = arith.constant 0 : i32
      %dma_start3A_67 = tpu.memref_slice %arg11[%dma_start3A, %dma_start3A_66] : memref<10000x128xf32, #tpu.memory_space<vmem_shared>> -> memref<520x128xf32, #tpu.memory_space<vmem_shared>>
      %dma_start3A_68 = arith.constant 9480 : i32
      %dma_start3A_69 = arith.constant 0 : i32
      %dma_start3A_70 = tpu.memref_slice %arg5[%dma_start3A_68, %dma_start3A_69] : memref<10000x128xf32, #tpu.memory_space<hbm>> -> memref<520x128xf32, #tpu.memory_space<hbm>>
      tpu.enqueue_dma source(%dma_start3A_70 : memref<520x128xf32, #tpu.memory_space<hbm>>) target(%dma_start3A_67 : memref<520x128xf32, #tpu.memory_space<vmem_shared>>) target_semaphore(%arg12 : memref<!tpu.dma_semaphore, #tpu.memory_space<semaphore_mem>>)
    } else {
    }
    "tpu.region"() ({
      %run_scoped3A = tpu.sem_alloc : memref<!tpu.dma_semaphore, #tpu.memory_space<semaphore_mem>>
      %dma_start3A = arith.constant 0 : i32
      %dma_start3A_66 = arith.constant 0 : i32
      %dma_start3A_67 = tpu.memref_slice %arg3[%add3A, %dma_start3A, %dma_start3A_66] : memref<32x80x125xi32, #tpu.memory_space<hbm>> -> memref<1x80x125xi32, #tpu.memory_space<hbm>>
      %dma_start3A_68 = tpu.memref_squeeze %dma_start3A_67 : memref<1x80x125xi32, #tpu.memory_space<hbm>> -> memref<80x125xi32, #tpu.memory_space<hbm>>
      %dma_start3A_69 = arith.constant 0 : i32
      %dma_start3A_70 = arith.constant 0 : i32
      %dma_start3A_71 = tpu.memref_slice %dma_start3A_68[%dma_start3A_69, %dma_start3A_70] : memref<80x125xi32, #tpu.memory_space<hbm>> -> memref<40x125xi32, #tpu.memory_space<hbm>>
      %dma_start3A_72 = arith.constant 0 : i32
      %dma_start3A_73 = arith.constant 0 : i32
      %dma_start3A_74 = tpu.memref_slice %arg3[%add3A, %dma_start3A_72, %dma_start3A_73] : memref<32x80x125xi32, #tpu.memory_space<hbm>> -> memref<1x80x125xi32, #tpu.memory_space<hbm>>
      %dma_start3A_75 = tpu.memref_squeeze %dma_start3A_74 : memref<1x80x125xi32, #tpu.memory_space<hbm>> -> memref<80x125xi32, #tpu.memory_space<hbm>>
      %dma_start3A_76 = arith.constant 0 : i32
      %dma_start3A_77 = arith.constant 0 : i32
      %dma_start3A_78 = tpu.memref_slice %dma_start3A_75[%dma_start3A_76, %dma_start3A_77] : memref<80x125xi32, #tpu.memory_space<hbm>> -> memref<40x125xi32, #tpu.memory_space<hbm>>
      tpu.enqueue_dma source(%dma_start3A_78 : memref<40x125xi32, #tpu.memory_space<hbm>>) target(%arg7 : memref<40x125xi32, #tpu.memory_space<vmem>>) target_semaphore(%run_scoped3A : memref<!tpu.dma_semaphore, #tpu.memory_space<semaphore_mem>>)
      %dma_wait3A_79 = arith.constant 0 : i32
      %dma_wait3A_80 = arith.constant 0 : i32
      %dma_wait3A_81 = tpu.memref_slice %arg3[%add3A, %dma_wait3A_79, %dma_wait3A_80] : memref<32x80x125xi32, #tpu.memory_space<hbm>> -> memref<1x80x125xi32, #tpu.memory_space<hbm>>
      %dma_wait3A_82 = tpu.memref_squeeze %dma_wait3A_81 : memref<1x80x125xi32, #tpu.memory_space<hbm>> -> memref<80x125xi32, #tpu.memory_space<hbm>>
      %dma_wait3A_83 = arith.constant 0 : i32
      %dma_wait3A_84 = arith.constant 0 : i32
      %dma_wait3A_85 = tpu.memref_slice %dma_wait3A_82[%dma_wait3A_83, %dma_wait3A_84] : memref<80x125xi32, #tpu.memory_space<hbm>> -> memref<40x125xi32, #tpu.memory_space<hbm>>
      %dma_wait3A_86 = arith.constant 0 : i32
      %dma_wait3A_87 = arith.constant 0 : i32
      %dma_wait3A_88 = tpu.memref_slice %arg3[%add3A, %dma_wait3A_86, %dma_wait3A_87] : memref<32x80x125xi32, #tpu.memory_space<hbm>> -> memref<1x80x125xi32, #tpu.memory_space<hbm>>
      %dma_wait3A_89 = tpu.memref_squeeze %dma_wait3A_88 : memref<1x80x125xi32, #tpu.memory_space<hbm>> -> memref<80x125xi32, #tpu.memory_space<hbm>>
      %dma_wait3A_90 = arith.constant 0 : i32
      %dma_wait3A_91 = arith.constant 0 : i32
      %dma_wait3A_92 = tpu.memref_slice %dma_wait3A_89[%dma_wait3A_90, %dma_wait3A_91] : memref<80x125xi32, #tpu.memory_space<hbm>> -> memref<40x125xi32, #tpu.memory_space<hbm>>
      tpu.wait_dma2 semaphore(%run_scoped3A : memref<!tpu.dma_semaphore, #tpu.memory_space<semaphore_mem>>) src(%dma_wait3A_92 : memref<40x125xi32, #tpu.memory_space<hbm>>) dst(%arg7 : memref<40x125xi32, #tpu.memory_space<vmem>>)
      tpu.yield
    }) : () -> ()
    "tpu.region"() ({
      %run_scoped3A = tpu.sem_alloc : memref<!tpu.dma_semaphore, #tpu.memory_space<semaphore_mem>>
      %dma_start3A = arith.constant 0 : i32
      %dma_start3A_66 = arith.constant 0 : i32
      %dma_start3A_67 = tpu.memref_slice %arg4[%add3A, %dma_start3A, %dma_start3A_66] : memref<32x80x125xi32, #tpu.memory_space<hbm>> -> memref<1x80x125xi32, #tpu.memory_space<hbm>>
      %dma_start3A_68 = tpu.memref_squeeze %dma_start3A_67 : memref<1x80x125xi32, #tpu.memory_space<hbm>> -> memref<80x125xi32, #tpu.memory_space<hbm>>
      %dma_start3A_69 = arith.constant 0 : i32
      %dma_start3A_70 = arith.constant 0 : i32
      %dma_start3A_71 = tpu.memref_slice %dma_start3A_68[%dma_start3A_69, %dma_start3A_70] : memref<80x125xi32, #tpu.memory_space<hbm>> -> memref<40x125xi32, #tpu.memory_space<hbm>>
      %dma_start3A_72 = arith.constant 0 : i32
      %dma_start3A_73 = arith.constant 0 : i32
      %dma_start3A_74 = tpu.memref_slice %arg4[%add3A, %dma_start3A_72, %dma_start3A_73] : memref<32x80x125xi32, #tpu.memory_space<hbm>> -> memref<1x80x125xi32, #tpu.memory_space<hbm>>
      %dma_start3A_75 = tpu.memref_squeeze %dma_start3A_74 : memref<1x80x125xi32, #tpu.memory_space<hbm>> -> memref<80x125xi32, #tpu.memory_space<hbm>>
      %dma_start3A_76 = arith.constant 0 : i32
      %dma_start3A_77 = arith.constant 0 : i32
      %dma_start3A_78 = tpu.memref_slice %dma_start3A_75[%dma_start3A_76, %dma_start3A_77] : memref<80x125xi32, #tpu.memory_space<hbm>> -> memref<40x125xi32, #tpu.memory_space<hbm>>
      tpu.enqueue_dma source(%dma_start3A_78 : memref<40x125xi32, #tpu.memory_space<hbm>>) target(%arg8 : memref<40x125xi32, #tpu.memory_space<vmem>>) target_semaphore(%run_scoped3A : memref<!tpu.dma_semaphore, #tpu.memory_space<semaphore_mem>>)
      %dma_wait3A_79 = arith.constant 0 : i32
      %dma_wait3A_80 = arith.constant 0 : i32
      %dma_wait3A_81 = tpu.memref_slice %arg4[%add3A, %dma_wait3A_79, %dma_wait3A_80] : memref<32x80x125xi32, #tpu.memory_space<hbm>> -> memref<1x80x125xi32, #tpu.memory_space<hbm>>
      %dma_wait3A_82 = tpu.memref_squeeze %dma_wait3A_81 : memref<1x80x125xi32, #tpu.memory_space<hbm>> -> memref<80x125xi32, #tpu.memory_space<hbm>>
      %dma_wait3A_83 = arith.constant 0 : i32
      %dma_wait3A_84 = arith.constant 0 : i32
      %dma_wait3A_85 = tpu.memref_slice %dma_wait3A_82[%dma_wait3A_83, %dma_wait3A_84] : memref<80x125xi32, #tpu.memory_space<hbm>> -> memref<40x125xi32, #tpu.memory_space<hbm>>
      %dma_wait3A_86 = arith.constant 0 : i32
      %dma_wait3A_87 = arith.constant 0 : i32
      %dma_wait3A_88 = tpu.memref_slice %arg4[%add3A, %dma_wait3A_86, %dma_wait3A_87] : memref<32x80x125xi32, #tpu.memory_space<hbm>> -> memref<1x80x125xi32, #tpu.memory_space<hbm>>
      %dma_wait3A_89 = tpu.memref_squeeze %dma_wait3A_88 : memref<1x80x125xi32, #tpu.memory_space<hbm>> -> memref<80x125xi32, #tpu.memory_space<hbm>>
      %dma_wait3A_90 = arith.constant 0 : i32
      %dma_wait3A_91 = arith.constant 0 : i32
      %dma_wait3A_92 = tpu.memref_slice %dma_wait3A_89[%dma_wait3A_90, %dma_wait3A_91] : memref<80x125xi32, #tpu.memory_space<hbm>> -> memref<40x125xi32, #tpu.memory_space<hbm>>
      tpu.wait_dma2 semaphore(%run_scoped3A : memref<!tpu.dma_semaphore, #tpu.memory_space<semaphore_mem>>) src(%dma_wait3A_92 : memref<40x125xi32, #tpu.memory_space<hbm>>) dst(%arg8 : memref<40x125xi32, #tpu.memory_space<vmem>>)
      tpu.yield
    }) : () -> ()
    %lt3A_7 = arith.constant 15 : i32
    %lt3A_8 = arith.cmpi slt, %arg1, %lt3A_7 : i32
    %convert_element_type3A_9 = arith.extui %lt3A_8 : i1 to i32
    %cond3A_10 = arith.constant 0 : i32
    %cond3A_11 = arith.cmpi ne, %convert_element_type3A_9, %cond3A_10 : i32
    scf.if %cond3A_11 {
      %mul3A_66 = arith.constant 632 : i32
      %mul3A_67 = arith.muli %arg1, %mul3A_66 : i32
      %dma_wait3A_68 = arith.constant 0 : i32
      %dma_wait3A_69 = tpu.memref_slice %arg11[%mul3A_67, %dma_wait3A_68] : memref<10000x128xf32, #tpu.memory_space<vmem_shared>> -> memref<632x128xf32, #tpu.memory_space<vmem_shared>>
      %dma_wait3A_70 = arith.constant 0 : i32
      %dma_wait3A_71 = tpu.memref_slice %arg5[%mul3A_67, %dma_wait3A_70] : memref<10000x128xf32, #tpu.memory_space<hbm>> -> memref<632x128xf32, #tpu.memory_space<hbm>>
      tpu.wait_dma2 semaphore(%arg12 : memref<!tpu.dma_semaphore, #tpu.memory_space<semaphore_mem>>) src(%dma_wait3A_71 : memref<632x128xf32, #tpu.memory_space<hbm>>) dst(%dma_wait3A_69 : memref<632x128xf32, #tpu.memory_space<vmem_shared>>)
    } else {
    }
    %eq3A_12 = arith.constant 15 : i32
    %eq3A_13 = arith.cmpi eq, %arg1, %eq3A_12 : i32
    %convert_element_type3A_14 = arith.extui %eq3A_13 : i1 to i32
    %cond3A_15 = arith.constant 0 : i32
    %cond3A_16 = arith.cmpi ne, %convert_element_type3A_14, %cond3A_15 : i32
    scf.if %cond3A_16 {
      %dma_wait3A_66 = arith.constant 9480 : i32
      %dma_wait3A_67 = arith.constant 0 : i32
      %dma_wait3A_68 = tpu.memref_slice %arg11[%dma_wait3A_66, %dma_wait3A_67] : memref<10000x128xf32, #tpu.memory_space<vmem_shared>> -> memref<520x128xf32, #tpu.memory_space<vmem_shared>>
      %dma_wait3A_69 = arith.constant 9480 : i32
      %dma_wait3A_70 = arith.constant 0 : i32
      %dma_wait3A_71 = tpu.memref_slice %arg5[%dma_wait3A_69, %dma_wait3A_70] : memref<10000x128xf32, #tpu.memory_space<hbm>> -> memref<520x128xf32, #tpu.memory_space<hbm>>
      tpu.wait_dma2 semaphore(%arg12 : memref<!tpu.dma_semaphore, #tpu.memory_space<semaphore_mem>>) src(%dma_wait3A_71 : memref<520x128xf32, #tpu.memory_space<hbm>>) dst(%dma_wait3A_68 : memref<520x128xf32, #tpu.memory_space<vmem_shared>>)
    } else {
    }
    %barrier3A = arith.constant 0 : index
    tpu.barrier barrier_id(%barrier3A)
    %scan3A = arith.constant 0 : i32
    %scan3A_17 = arith.constant 0 : i32
    %scan3A_18 = arith.constant 20 : i32
    %scan3A_19 = arith.addi %scan3A_17, %scan3A_18 : i32
    %scan3A_20 = arith.constant 1 : i32
    scf.for %scan3A_66 = %scan3A_17 to %scan3A_19 step %scan3A_20  : i32 {
      %mul3A_67 = arith.constant 2 : i32
      %mul3A_68 = arith.muli %mul3A_67, %scan3A_66 : i32
      %mul3A_69 = arith.constant 2 : i32
      %mul3A_70 = arith.muli %mul3A_69, %scan3A_66 : i32
      %add3A_71 = arith.constant 1 : i32
      %add3A_72 = arith.addi %mul3A_70, %add3A_71 : i32
      %gt3A = arith.constant 0 : i32
      %gt3A_73 = arith.cmpi sgt, %scan3A_66, %gt3A : i32
      %convert_element_type3A_74 = arith.extui %gt3A_73 : i1 to i32
      %cond3A_75 = arith.constant 0 : i32
      %cond3A_76 = arith.cmpi ne, %convert_element_type3A_74, %cond3A_75 : i32
      scf.if %cond3A_76 {
        %sub3A = arith.constant 2 : i32
        %sub3A_117 = arith.subi %mul3A_68, %sub3A : i32
        %dma_wait3A_118 = arith.constant 0 : i32
        %dma_wait3A_119 = tpu.memref_slice %arg8[%sub3A_117, %dma_wait3A_118] : memref<40x125xi32, #tpu.memory_space<vmem>> -> memref<1x125xi32, #tpu.memory_space<vmem>>
        %dma_wait3A_120 = tpu.memref_squeeze %dma_wait3A_119 : memref<1x125xi32, #tpu.memory_space<vmem>> -> memref<125xi32, #tpu.memory_space<vmem>>
        %dma_wait3A_121 = arith.constant 0 : i32
        %dma_wait3A_122 = arith.constant 0 : i32
        %dma_wait3A_123 = tpu.memref_slice %arg11[%dma_wait3A_121, %dma_wait3A_122] : memref<10000x128xf32, #tpu.memory_space<vmem_shared>> -> memref<10000x128xf32, #tpu.memory_space<vmem_shared>>
        tpu.wait_indirect_dma semaphore(%arg14 : memref<!tpu.dma_semaphore, #tpu.memory_space<semaphore_mem>>) src(%arg9 : memref<125x128xf32, #tpu.memory_space<vmem>>) dst(%dma_wait3A_123 : memref<10000x128xf32, #tpu.memory_space<vmem_shared>>)
      } else {
      }
      %dma_start3A = arith.constant 0 : i32
      %dma_start3A_77 = tpu.memref_slice %arg7[%mul3A_68, %dma_start3A] : memref<40x125xi32, #tpu.memory_space<vmem>> -> memref<1x125xi32, #tpu.memory_space<vmem>>
      %dma_start3A_78 = tpu.memref_squeeze %dma_start3A_77 : memref<1x125xi32, #tpu.memory_space<vmem>> -> memref<125xi32, #tpu.memory_space<vmem>>
      %dma_start3A_79 = arith.constant 0 : i32
      %dma_start3A_80 = arith.constant 0 : i32
      %dma_start3A_81 = tpu.memref_slice %arg2[%dma_start3A_79, %dma_start3A_80] : memref<10000x128xf32, #tpu.memory_space<hbm>> -> memref<10000x128xf32, #tpu.memory_space<hbm>>
      tpu.enqueue_indirect_dma source(%dma_start3A_81 : memref<10000x128xf32, #tpu.memory_space<hbm>>) target(%arg9 : memref<125x128xf32, #tpu.memory_space<vmem>>) offsets(%dma_start3A_78 : memref<125xi32, #tpu.memory_space<vmem>>) semaphore(%arg12 : memref<!tpu.dma_semaphore, #tpu.memory_space<semaphore_mem>>)
      %gt3A_82 = arith.constant 0 : i32
      %gt3A_83 = arith.cmpi sgt, %scan3A_66, %gt3A_82 : i32
      %convert_element_type3A_84 = arith.extui %gt3A_83 : i1 to i32
      %cond3A_85 = arith.constant 0 : i32
      %cond3A_86 = arith.cmpi ne, %convert_element_type3A_84, %cond3A_85 : i32
      scf.if %cond3A_86 {
        %sub3A = arith.constant 2 : i32
        %sub3A_117 = arith.subi %add3A_72, %sub3A : i32
        %dma_wait3A_118 = arith.constant 0 : i32
        %dma_wait3A_119 = tpu.memref_slice %arg8[%sub3A_117, %dma_wait3A_118] : memref<40x125xi32, #tpu.memory_space<vmem>> -> memref<1x125xi32, #tpu.memory_space<vmem>>
        %dma_wait3A_120 = tpu.memref_squeeze %dma_wait3A_119 : memref<1x125xi32, #tpu.memory_space<vmem>> -> memref<125xi32, #tpu.memory_space<vmem>>
        %dma_wait3A_121 = arith.constant 0 : i32
        %dma_wait3A_122 = arith.constant 0 : i32
        %dma_wait3A_123 = tpu.memref_slice %arg11[%dma_wait3A_121, %dma_wait3A_122] : memref<10000x128xf32, #tpu.memory_space<vmem_shared>> -> memref<10000x128xf32, #tpu.memory_space<vmem_shared>>
        tpu.wait_indirect_dma semaphore(%arg15 : memref<!tpu.dma_semaphore, #tpu.memory_space<semaphore_mem>>) src(%arg10 : memref<125x128xf32, #tpu.memory_space<vmem>>) dst(%dma_wait3A_123 : memref<10000x128xf32, #tpu.memory_space<vmem_shared>>)
      } else {
      }
      %dma_start3A_87 = arith.constant 0 : i32
      %dma_start3A_88 = tpu.memref_slice %arg7[%add3A_72, %dma_start3A_87] : memref<40x125xi32, #tpu.memory_space<vmem>> -> memref<1x125xi32, #tpu.memory_space<vmem>>
      %dma_start3A_89 = tpu.memref_squeeze %dma_start3A_88 : memref<1x125xi32, #tpu.memory_space<vmem>> -> memref<125xi32, #tpu.memory_space<vmem>>
      %dma_start3A_90 = arith.constant 0 : i32
      %dma_start3A_91 = arith.constant 0 : i32
      %dma_start3A_92 = tpu.memref_slice %arg2[%dma_start3A_90, %dma_start3A_91] : memref<10000x128xf32, #tpu.memory_space<hbm>> -> memref<10000x128xf32, #tpu.memory_space<hbm>>
      tpu.enqueue_indirect_dma source(%dma_start3A_92 : memref<10000x128xf32, #tpu.memory_space<hbm>>) target(%arg10 : memref<125x128xf32, #tpu.memory_space<vmem>>) offsets(%dma_start3A_89 : memref<125xi32, #tpu.memory_space<vmem>>) semaphore(%arg13 : memref<!tpu.dma_semaphore, #tpu.memory_space<semaphore_mem>>)
      %dma_wait3A_93 = arith.constant 0 : i32
      %dma_wait3A_94 = tpu.memref_slice %arg7[%mul3A_68, %dma_wait3A_93] : memref<40x125xi32, #tpu.memory_space<vmem>> -> memref<1x125xi32, #tpu.memory_space<vmem>>
      %dma_wait3A_95 = tpu.memref_squeeze %dma_wait3A_94 : memref<1x125xi32, #tpu.memory_space<vmem>> -> memref<125xi32, #tpu.memory_space<vmem>>
      %dma_wait3A_96 = arith.constant 0 : i32
      %dma_wait3A_97 = arith.constant 0 : i32
      %dma_wait3A_98 = tpu.memref_slice %arg2[%dma_wait3A_96, %dma_wait3A_97] : memref<10000x128xf32, #tpu.memory_space<hbm>> -> memref<10000x128xf32, #tpu.memory_space<hbm>>
      tpu.wait_indirect_dma semaphore(%arg12 : memref<!tpu.dma_semaphore, #tpu.memory_space<semaphore_mem>>) src(%dma_wait3A_98 : memref<10000x128xf32, #tpu.memory_space<hbm>>) dst(%arg9 : memref<125x128xf32, #tpu.memory_space<vmem>>)
      %dma_start3A_99 = arith.constant 0 : i32
      %dma_start3A_100 = tpu.memref_slice %arg8[%mul3A_68, %dma_start3A_99] : memref<40x125xi32, #tpu.memory_space<vmem>> -> memref<1x125xi32, #tpu.memory_space<vmem>>
      %dma_start3A_101 = tpu.memref_squeeze %dma_start3A_100 : memref<1x125xi32, #tpu.memory_space<vmem>> -> memref<125xi32, #tpu.memory_space<vmem>>
      %dma_start3A_102 = arith.constant 0 : i32
      %dma_start3A_103 = arith.constant 0 : i32
      %dma_start3A_104 = tpu.memref_slice %arg11[%dma_start3A_102, %dma_start3A_103] : memref<10000x128xf32, #tpu.memory_space<vmem_shared>> -> memref<10000x128xf32, #tpu.memory_space<vmem_shared>>
      tpu.enqueue_indirect_dma source(%arg9 : memref<125x128xf32, #tpu.memory_space<vmem>>) target(%dma_start3A_104 : memref<10000x128xf32, #tpu.memory_space<vmem_shared>>) offsets(%dma_start3A_101 : memref<125xi32, #tpu.memory_space<vmem>>) semaphore(%arg14 : memref<!tpu.dma_semaphore, #tpu.memory_space<semaphore_mem>>) {add = true}
      %dma_wait3A_105 = arith.constant 0 : i32
      %dma_wait3A_106 = tpu.memref_slice %arg7[%add3A_72, %dma_wait3A_105] : memref<40x125xi32, #tpu.memory_space<vmem>> -> memref<1x125xi32, #tpu.memory_space<vmem>>
      %dma_wait3A_107 = tpu.memref_squeeze %dma_wait3A_106 : memref<1x125xi32, #tpu.memory_space<vmem>> -> memref<125xi32, #tpu.memory_space<vmem>>
      %dma_wait3A_108 = arith.constant 0 : i32
      %dma_wait3A_109 = arith.constant 0 : i32
      %dma_wait3A_110 = tpu.memref_slice %arg2[%dma_wait3A_108, %dma_wait3A_109] : memref<10000x128xf32, #tpu.memory_space<hbm>> -> memref<10000x128xf32, #tpu.memory_space<hbm>>
      tpu.wait_indirect_dma semaphore(%arg13 : memref<!tpu.dma_semaphore, #tpu.memory_space<semaphore_mem>>) src(%dma_wait3A_110 : memref<10000x128xf32, #tpu.memory_space<hbm>>) dst(%arg10 : memref<125x128xf32, #tpu.memory_space<vmem>>)
      %dma_start3A_111 = arith.constant 0 : i32
      %dma_start3A_112 = tpu.memref_slice %arg8[%add3A_72, %dma_start3A_111] : memref<40x125xi32, #tpu.memory_space<vmem>> -> memref<1x125xi32, #tpu.memory_space<vmem>>
      %dma_start3A_113 = tpu.memref_squeeze %dma_start3A_112 : memref<1x125xi32, #tpu.memory_space<vmem>> -> memref<125xi32, #tpu.memory_space<vmem>>
      %dma_start3A_114 = arith.constant 0 : i32
      %dma_start3A_115 = arith.constant 0 : i32
      %dma_start3A_116 = tpu.memref_slice %arg11[%dma_start3A_114, %dma_start3A_115] : memref<10000x128xf32, #tpu.memory_space<vmem_shared>> -> memref<10000x128xf32, #tpu.memory_space<vmem_shared>>
      tpu.enqueue_indirect_dma source(%arg10 : memref<125x128xf32, #tpu.memory_space<vmem>>) target(%dma_start3A_116 : memref<10000x128xf32, #tpu.memory_space<vmem_shared>>) offsets(%dma_start3A_113 : memref<125xi32, #tpu.memory_space<vmem>>) semaphore(%arg15 : memref<!tpu.dma_semaphore, #tpu.memory_space<semaphore_mem>>) {add = true}
    }
    %scan3A_21 = arith.constant 20 : i32
    %dma_wait3A = arith.constant 38 : i32
    %dma_wait3A_22 = arith.constant 0 : i32
    %dma_wait3A_23 = tpu.memref_slice %arg8[%dma_wait3A, %dma_wait3A_22] : memref<40x125xi32, #tpu.memory_space<vmem>> -> memref<1x125xi32, #tpu.memory_space<vmem>>
    %dma_wait3A_24 = tpu.memref_squeeze %dma_wait3A_23 : memref<1x125xi32, #tpu.memory_space<vmem>> -> memref<125xi32, #tpu.memory_space<vmem>>
    %dma_wait3A_25 = arith.constant 0 : i32
    %dma_wait3A_26 = arith.constant 0 : i32
    %dma_wait3A_27 = tpu.memref_slice %arg11[%dma_wait3A_25, %dma_wait3A_26] : memref<10000x128xf32, #tpu.memory_space<vmem_shared>> -> memref<10000x128xf32, #tpu.memory_space<vmem_shared>>
    tpu.wait_indirect_dma semaphore(%arg14 : memref<!tpu.dma_semaphore, #tpu.memory_space<semaphore_mem>>) src(%arg9 : memref<125x128xf32, #tpu.memory_space<vmem>>) dst(%dma_wait3A_27 : memref<10000x128xf32, #tpu.memory_space<vmem_shared>>)
    %dma_wait3A_28 = arith.constant 39 : i32
    %dma_wait3A_29 = arith.constant 0 : i32
    %dma_wait3A_30 = tpu.memref_slice %arg8[%dma_wait3A_28, %dma_wait3A_29] : memref<40x125xi32, #tpu.memory_space<vmem>> -> memref<1x125xi32, #tpu.memory_space<vmem>>
    %dma_wait3A_31 = tpu.memref_squeeze %dma_wait3A_30 : memref<1x125xi32, #tpu.memory_space<vmem>> -> memref<125xi32, #tpu.memory_space<vmem>>
    %dma_wait3A_32 = arith.constant 0 : i32
    %dma_wait3A_33 = arith.constant 0 : i32
    %dma_wait3A_34 = tpu.memref_slice %arg11[%dma_wait3A_32, %dma_wait3A_33] : memref<10000x128xf32, #tpu.memory_space<vmem_shared>> -> memref<10000x128xf32, #tpu.memory_space<vmem_shared>>
    tpu.wait_indirect_dma semaphore(%arg15 : memref<!tpu.dma_semaphore, #tpu.memory_space<semaphore_mem>>) src(%arg10 : memref<125x128xf32, #tpu.memory_space<vmem>>) dst(%dma_wait3A_34 : memref<10000x128xf32, #tpu.memory_space<vmem_shared>>)
    "tpu.region"() ({
      %run_scoped3A = tpu.sem_alloc : memref<!tpu.dma_semaphore, #tpu.memory_space<semaphore_mem>>
      %dma_start3A = arith.constant 0 : i32
      %dma_start3A_66 = arith.constant 0 : i32
      %dma_start3A_67 = tpu.memref_slice %arg3[%add3A, %dma_start3A, %dma_start3A_66] : memref<32x80x125xi32, #tpu.memory_space<hbm>> -> memref<1x80x125xi32, #tpu.memory_space<hbm>>
      %dma_start3A_68 = tpu.memref_squeeze %dma_start3A_67 : memref<1x80x125xi32, #tpu.memory_space<hbm>> -> memref<80x125xi32, #tpu.memory_space<hbm>>
      %dma_start3A_69 = arith.constant 40 : i32
      %dma_start3A_70 = arith.constant 0 : i32
      %dma_start3A_71 = tpu.memref_slice %dma_start3A_68[%dma_start3A_69, %dma_start3A_70] : memref<80x125xi32, #tpu.memory_space<hbm>> -> memref<40x125xi32, #tpu.memory_space<hbm>>
      %dma_start3A_72 = arith.constant 0 : i32
      %dma_start3A_73 = arith.constant 0 : i32
      %dma_start3A_74 = tpu.memref_slice %arg3[%add3A, %dma_start3A_72, %dma_start3A_73] : memref<32x80x125xi32, #tpu.memory_space<hbm>> -> memref<1x80x125xi32, #tpu.memory_space<hbm>>
      %dma_start3A_75 = tpu.memref_squeeze %dma_start3A_74 : memref<1x80x125xi32, #tpu.memory_space<hbm>> -> memref<80x125xi32, #tpu.memory_space<hbm>>
      %dma_start3A_76 = arith.constant 40 : i32
      %dma_start3A_77 = arith.constant 0 : i32
      %dma_start3A_78 = tpu.memref_slice %dma_start3A_75[%dma_start3A_76, %dma_start3A_77] : memref<80x125xi32, #tpu.memory_space<hbm>> -> memref<40x125xi32, #tpu.memory_space<hbm>>
      tpu.enqueue_dma source(%dma_start3A_78 : memref<40x125xi32, #tpu.memory_space<hbm>>) target(%arg7 : memref<40x125xi32, #tpu.memory_space<vmem>>) target_semaphore(%run_scoped3A : memref<!tpu.dma_semaphore, #tpu.memory_space<semaphore_mem>>)
      %dma_wait3A_79 = arith.constant 0 : i32
      %dma_wait3A_80 = arith.constant 0 : i32
      %dma_wait3A_81 = tpu.memref_slice %arg3[%add3A, %dma_wait3A_79, %dma_wait3A_80] : memref<32x80x125xi32, #tpu.memory_space<hbm>> -> memref<1x80x125xi32, #tpu.memory_space<hbm>>
      %dma_wait3A_82 = tpu.memref_squeeze %dma_wait3A_81 : memref<1x80x125xi32, #tpu.memory_space<hbm>> -> memref<80x125xi32, #tpu.memory_space<hbm>>
      %dma_wait3A_83 = arith.constant 40 : i32
      %dma_wait3A_84 = arith.constant 0 : i32
      %dma_wait3A_85 = tpu.memref_slice %dma_wait3A_82[%dma_wait3A_83, %dma_wait3A_84] : memref<80x125xi32, #tpu.memory_space<hbm>> -> memref<40x125xi32, #tpu.memory_space<hbm>>
      %dma_wait3A_86 = arith.constant 0 : i32
      %dma_wait3A_87 = arith.constant 0 : i32
      %dma_wait3A_88 = tpu.memref_slice %arg3[%add3A, %dma_wait3A_86, %dma_wait3A_87] : memref<32x80x125xi32, #tpu.memory_space<hbm>> -> memref<1x80x125xi32, #tpu.memory_space<hbm>>
      %dma_wait3A_89 = tpu.memref_squeeze %dma_wait3A_88 : memref<1x80x125xi32, #tpu.memory_space<hbm>> -> memref<80x125xi32, #tpu.memory_space<hbm>>
      %dma_wait3A_90 = arith.constant 40 : i32
      %dma_wait3A_91 = arith.constant 0 : i32
      %dma_wait3A_92 = tpu.memref_slice %dma_wait3A_89[%dma_wait3A_90, %dma_wait3A_91] : memref<80x125xi32, #tpu.memory_space<hbm>> -> memref<40x125xi32, #tpu.memory_space<hbm>>
      tpu.wait_dma2 semaphore(%run_scoped3A : memref<!tpu.dma_semaphore, #tpu.memory_space<semaphore_mem>>) src(%dma_wait3A_92 : memref<40x125xi32, #tpu.memory_space<hbm>>) dst(%arg7 : memref<40x125xi32, #tpu.memory_space<vmem>>)
      tpu.yield
    }) : () -> ()
    "tpu.region"() ({
      %run_scoped3A = tpu.sem_alloc : memref<!tpu.dma_semaphore, #tpu.memory_space<semaphore_mem>>
      %dma_start3A = arith.constant 0 : i32
      %dma_start3A_66 = arith.constant 0 : i32
      %dma_start3A_67 = tpu.memref_slice %arg4[%add3A, %dma_start3A, %dma_start3A_66] : memref<32x80x125xi32, #tpu.memory_space<hbm>> -> memref<1x80x125xi32, #tpu.memory_space<hbm>>
      %dma_start3A_68 = tpu.memref_squeeze %dma_start3A_67 : memref<1x80x125xi32, #tpu.memory_space<hbm>> -> memref<80x125xi32, #tpu.memory_space<hbm>>
      %dma_start3A_69 = arith.constant 40 : i32
      %dma_start3A_70 = arith.constant 0 : i32
      %dma_start3A_71 = tpu.memref_slice %dma_start3A_68[%dma_start3A_69, %dma_start3A_70] : memref<80x125xi32, #tpu.memory_space<hbm>> -> memref<40x125xi32, #tpu.memory_space<hbm>>
      %dma_start3A_72 = arith.constant 0 : i32
      %dma_start3A_73 = arith.constant 0 : i32
      %dma_start3A_74 = tpu.memref_slice %arg4[%add3A, %dma_start3A_72, %dma_start3A_73] : memref<32x80x125xi32, #tpu.memory_space<hbm>> -> memref<1x80x125xi32, #tpu.memory_space<hbm>>
      %dma_start3A_75 = tpu.memref_squeeze %dma_start3A_74 : memref<1x80x125xi32, #tpu.memory_space<hbm>> -> memref<80x125xi32, #tpu.memory_space<hbm>>
      %dma_start3A_76 = arith.constant 40 : i32
      %dma_start3A_77 = arith.constant 0 : i32
      %dma_start3A_78 = tpu.memref_slice %dma_start3A_75[%dma_start3A_76, %dma_start3A_77] : memref<80x125xi32, #tpu.memory_space<hbm>> -> memref<40x125xi32, #tpu.memory_space<hbm>>
      tpu.enqueue_dma source(%dma_start3A_78 : memref<40x125xi32, #tpu.memory_space<hbm>>) target(%arg8 : memref<40x125xi32, #tpu.memory_space<vmem>>) target_semaphore(%run_scoped3A : memref<!tpu.dma_semaphore, #tpu.memory_space<semaphore_mem>>)
      %dma_wait3A_79 = arith.constant 0 : i32
      %dma_wait3A_80 = arith.constant 0 : i32
      %dma_wait3A_81 = tpu.memref_slice %arg4[%add3A, %dma_wait3A_79, %dma_wait3A_80] : memref<32x80x125xi32, #tpu.memory_space<hbm>> -> memref<1x80x125xi32, #tpu.memory_space<hbm>>
      %dma_wait3A_82 = tpu.memref_squeeze %dma_wait3A_81 : memref<1x80x125xi32, #tpu.memory_space<hbm>> -> memref<80x125xi32, #tpu.memory_space<hbm>>
      %dma_wait3A_83 = arith.constant 40 : i32
      %dma_wait3A_84 = arith.constant 0 : i32
      %dma_wait3A_85 = tpu.memref_slice %dma_wait3A_82[%dma_wait3A_83, %dma_wait3A_84] : memref<80x125xi32, #tpu.memory_space<hbm>> -> memref<40x125xi32, #tpu.memory_space<hbm>>
      %dma_wait3A_86 = arith.constant 0 : i32
      %dma_wait3A_87 = arith.constant 0 : i32
      %dma_wait3A_88 = tpu.memref_slice %arg4[%add3A, %dma_wait3A_86, %dma_wait3A_87] : memref<32x80x125xi32, #tpu.memory_space<hbm>> -> memref<1x80x125xi32, #tpu.memory_space<hbm>>
      %dma_wait3A_89 = tpu.memref_squeeze %dma_wait3A_88 : memref<1x80x125xi32, #tpu.memory_space<hbm>> -> memref<80x125xi32, #tpu.memory_space<hbm>>
      %dma_wait3A_90 = arith.constant 40 : i32
      %dma_wait3A_91 = arith.constant 0 : i32
      %dma_wait3A_92 = tpu.memref_slice %dma_wait3A_89[%dma_wait3A_90, %dma_wait3A_91] : memref<80x125xi32, #tpu.memory_space<hbm>> -> memref<40x125xi32, #tpu.memory_space<hbm>>
      tpu.wait_dma2 semaphore(%run_scoped3A : memref<!tpu.dma_semaphore, #tpu.memory_space<semaphore_mem>>) src(%dma_wait3A_92 : memref<40x125xi32, #tpu.memory_space<hbm>>) dst(%arg8 : memref<40x125xi32, #tpu.memory_space<vmem>>)
      tpu.yield
    }) : () -> ()
    %scan3A_35 = arith.constant 0 : i32
    %scan3A_36 = arith.constant 0 : i32
    %scan3A_37 = arith.constant 20 : i32
    %scan3A_38 = arith.addi %scan3A_36, %scan3A_37 : i32
    %scan3A_39 = arith.constant 1 : i32
    scf.for %scan3A_66 = %scan3A_36 to %scan3A_38 step %scan3A_39  : i32 {
      %mul3A_67 = arith.constant 2 : i32
      %mul3A_68 = arith.muli %mul3A_67, %scan3A_66 : i32
      %mul3A_69 = arith.constant 2 : i32
      %mul3A_70 = arith.muli %mul3A_69, %scan3A_66 : i32
      %add3A_71 = arith.constant 1 : i32
      %add3A_72 = arith.addi %mul3A_70, %add3A_71 : i32
      %gt3A = arith.constant 0 : i32
      %gt3A_73 = arith.cmpi sgt, %scan3A_66, %gt3A : i32
      %convert_element_type3A_74 = arith.extui %gt3A_73 : i1 to i32
      %cond3A_75 = arith.constant 0 : i32
      %cond3A_76 = arith.cmpi ne, %convert_element_type3A_74, %cond3A_75 : i32
      scf.if %cond3A_76 {
        %sub3A = arith.constant 2 : i32
        %sub3A_117 = arith.subi %mul3A_68, %sub3A : i32
        %dma_wait3A_118 = arith.constant 0 : i32
        %dma_wait3A_119 = tpu.memref_slice %arg8[%sub3A_117, %dma_wait3A_118] : memref<40x125xi32, #tpu.memory_space<vmem>> -> memref<1x125xi32, #tpu.memory_space<vmem>>
        %dma_wait3A_120 = tpu.memref_squeeze %dma_wait3A_119 : memref<1x125xi32, #tpu.memory_space<vmem>> -> memref<125xi32, #tpu.memory_space<vmem>>
        %dma_wait3A_121 = arith.constant 0 : i32
        %dma_wait3A_122 = arith.constant 0 : i32
        %dma_wait3A_123 = tpu.memref_slice %arg11[%dma_wait3A_121, %dma_wait3A_122] : memref<10000x128xf32, #tpu.memory_space<vmem_shared>> -> memref<10000x128xf32, #tpu.memory_space<vmem_shared>>
        tpu.wait_indirect_dma semaphore(%arg14 : memref<!tpu.dma_semaphore, #tpu.memory_space<semaphore_mem>>) src(%arg9 : memref<125x128xf32, #tpu.memory_space<vmem>>) dst(%dma_wait3A_123 : memref<10000x128xf32, #tpu.memory_space<vmem_shared>>)
      } else {
      }
      %dma_start3A = arith.constant 0 : i32
      %dma_start3A_77 = tpu.memref_slice %arg7[%mul3A_68, %dma_start3A] : memref<40x125xi32, #tpu.memory_space<vmem>> -> memref<1x125xi32, #tpu.memory_space<vmem>>
      %dma_start3A_78 = tpu.memref_squeeze %dma_start3A_77 : memref<1x125xi32, #tpu.memory_space<vmem>> -> memref<125xi32, #tpu.memory_space<vmem>>
      %dma_start3A_79 = arith.constant 0 : i32
      %dma_start3A_80 = arith.constant 0 : i32
      %dma_start3A_81 = tpu.memref_slice %arg2[%dma_start3A_79, %dma_start3A_80] : memref<10000x128xf32, #tpu.memory_space<hbm>> -> memref<10000x128xf32, #tpu.memory_space<hbm>>
      tpu.enqueue_indirect_dma source(%dma_start3A_81 : memref<10000x128xf32, #tpu.memory_space<hbm>>) target(%arg9 : memref<125x128xf32, #tpu.memory_space<vmem>>) offsets(%dma_start3A_78 : memref<125xi32, #tpu.memory_space<vmem>>) semaphore(%arg12 : memref<!tpu.dma_semaphore, #tpu.memory_space<semaphore_mem>>)
      %gt3A_82 = arith.constant 0 : i32
      %gt3A_83 = arith.cmpi sgt, %scan3A_66, %gt3A_82 : i32
      %convert_element_type3A_84 = arith.extui %gt3A_83 : i1 to i32
      %cond3A_85 = arith.constant 0 : i32
      %cond3A_86 = arith.cmpi ne, %convert_element_type3A_84, %cond3A_85 : i32
      scf.if %cond3A_86 {
        %sub3A = arith.constant 2 : i32
        %sub3A_117 = arith.subi %add3A_72, %sub3A : i32
        %dma_wait3A_118 = arith.constant 0 : i32
        %dma_wait3A_119 = tpu.memref_slice %arg8[%sub3A_117, %dma_wait3A_118] : memref<40x125xi32, #tpu.memory_space<vmem>> -> memref<1x125xi32, #tpu.memory_space<vmem>>
        %dma_wait3A_120 = tpu.memref_squeeze %dma_wait3A_119 : memref<1x125xi32, #tpu.memory_space<vmem>> -> memref<125xi32, #tpu.memory_space<vmem>>
        %dma_wait3A_121 = arith.constant 0 : i32
        %dma_wait3A_122 = arith.constant 0 : i32
        %dma_wait3A_123 = tpu.memref_slice %arg11[%dma_wait3A_121, %dma_wait3A_122] : memref<10000x128xf32, #tpu.memory_space<vmem_shared>> -> memref<10000x128xf32, #tpu.memory_space<vmem_shared>>
        tpu.wait_indirect_dma semaphore(%arg15 : memref<!tpu.dma_semaphore, #tpu.memory_space<semaphore_mem>>) src(%arg10 : memref<125x128xf32, #tpu.memory_space<vmem>>) dst(%dma_wait3A_123 : memref<10000x128xf32, #tpu.memory_space<vmem_shared>>)
      } else {
      }
      %dma_start3A_87 = arith.constant 0 : i32
      %dma_start3A_88 = tpu.memref_slice %arg7[%add3A_72, %dma_start3A_87] : memref<40x125xi32, #tpu.memory_space<vmem>> -> memref<1x125xi32, #tpu.memory_space<vmem>>
      %dma_start3A_89 = tpu.memref_squeeze %dma_start3A_88 : memref<1x125xi32, #tpu.memory_space<vmem>> -> memref<125xi32, #tpu.memory_space<vmem>>
      %dma_start3A_90 = arith.constant 0 : i32
      %dma_start3A_91 = arith.constant 0 : i32
      %dma_start3A_92 = tpu.memref_slice %arg2[%dma_start3A_90, %dma_start3A_91] : memref<10000x128xf32, #tpu.memory_space<hbm>> -> memref<10000x128xf32, #tpu.memory_space<hbm>>
      tpu.enqueue_indirect_dma source(%dma_start3A_92 : memref<10000x128xf32, #tpu.memory_space<hbm>>) target(%arg10 : memref<125x128xf32, #tpu.memory_space<vmem>>) offsets(%dma_start3A_89 : memref<125xi32, #tpu.memory_space<vmem>>) semaphore(%arg13 : memref<!tpu.dma_semaphore, #tpu.memory_space<semaphore_mem>>)
      %dma_wait3A_93 = arith.constant 0 : i32
      %dma_wait3A_94 = tpu.memref_slice %arg7[%mul3A_68, %dma_wait3A_93] : memref<40x125xi32, #tpu.memory_space<vmem>> -> memref<1x125xi32, #tpu.memory_space<vmem>>
      %dma_wait3A_95 = tpu.memref_squeeze %dma_wait3A_94 : memref<1x125xi32, #tpu.memory_space<vmem>> -> memref<125xi32, #tpu.memory_space<vmem>>
      %dma_wait3A_96 = arith.constant 0 : i32
      %dma_wait3A_97 = arith.constant 0 : i32
      %dma_wait3A_98 = tpu.memref_slice %arg2[%dma_wait3A_96, %dma_wait3A_97] : memref<10000x128xf32, #tpu.memory_space<hbm>> -> memref<10000x128xf32, #tpu.memory_space<hbm>>
      tpu.wait_indirect_dma semaphore(%arg12 : memref<!tpu.dma_semaphore, #tpu.memory_space<semaphore_mem>>) src(%dma_wait3A_98 : memref<10000x128xf32, #tpu.memory_space<hbm>>) dst(%arg9 : memref<125x128xf32, #tpu.memory_space<vmem>>)
      %dma_start3A_99 = arith.constant 0 : i32
      %dma_start3A_100 = tpu.memref_slice %arg8[%mul3A_68, %dma_start3A_99] : memref<40x125xi32, #tpu.memory_space<vmem>> -> memref<1x125xi32, #tpu.memory_space<vmem>>
      %dma_start3A_101 = tpu.memref_squeeze %dma_start3A_100 : memref<1x125xi32, #tpu.memory_space<vmem>> -> memref<125xi32, #tpu.memory_space<vmem>>
      %dma_start3A_102 = arith.constant 0 : i32
      %dma_start3A_103 = arith.constant 0 : i32
      %dma_start3A_104 = tpu.memref_slice %arg11[%dma_start3A_102, %dma_start3A_103] : memref<10000x128xf32, #tpu.memory_space<vmem_shared>> -> memref<10000x128xf32, #tpu.memory_space<vmem_shared>>
      tpu.enqueue_indirect_dma source(%arg9 : memref<125x128xf32, #tpu.memory_space<vmem>>) target(%dma_start3A_104 : memref<10000x128xf32, #tpu.memory_space<vmem_shared>>) offsets(%dma_start3A_101 : memref<125xi32, #tpu.memory_space<vmem>>) semaphore(%arg14 : memref<!tpu.dma_semaphore, #tpu.memory_space<semaphore_mem>>) {add = true}
      %dma_wait3A_105 = arith.constant 0 : i32
      %dma_wait3A_106 = tpu.memref_slice %arg7[%add3A_72, %dma_wait3A_105] : memref<40x125xi32, #tpu.memory_space<vmem>> -> memref<1x125xi32, #tpu.memory_space<vmem>>
      %dma_wait3A_107 = tpu.memref_squeeze %dma_wait3A_106 : memref<1x125xi32, #tpu.memory_space<vmem>> -> memref<125xi32, #tpu.memory_space<vmem>>
      %dma_wait3A_108 = arith.constant 0 : i32
      %dma_wait3A_109 = arith.constant 0 : i32
      %dma_wait3A_110 = tpu.memref_slice %arg2[%dma_wait3A_108, %dma_wait3A_109] : memref<10000x128xf32, #tpu.memory_space<hbm>> -> memref<10000x128xf32, #tpu.memory_space<hbm>>
      tpu.wait_indirect_dma semaphore(%arg13 : memref<!tpu.dma_semaphore, #tpu.memory_space<semaphore_mem>>) src(%dma_wait3A_110 : memref<10000x128xf32, #tpu.memory_space<hbm>>) dst(%arg10 : memref<125x128xf32, #tpu.memory_space<vmem>>)
      %dma_start3A_111 = arith.constant 0 : i32
      %dma_start3A_112 = tpu.memref_slice %arg8[%add3A_72, %dma_start3A_111] : memref<40x125xi32, #tpu.memory_space<vmem>> -> memref<1x125xi32, #tpu.memory_space<vmem>>
      %dma_start3A_113 = tpu.memref_squeeze %dma_start3A_112 : memref<1x125xi32, #tpu.memory_space<vmem>> -> memref<125xi32, #tpu.memory_space<vmem>>
      %dma_start3A_114 = arith.constant 0 : i32
      %dma_start3A_115 = arith.constant 0 : i32
      %dma_start3A_116 = tpu.memref_slice %arg11[%dma_start3A_114, %dma_start3A_115] : memref<10000x128xf32, #tpu.memory_space<vmem_shared>> -> memref<10000x128xf32, #tpu.memory_space<vmem_shared>>
      tpu.enqueue_indirect_dma source(%arg10 : memref<125x128xf32, #tpu.memory_space<vmem>>) target(%dma_start3A_116 : memref<10000x128xf32, #tpu.memory_space<vmem_shared>>) offsets(%dma_start3A_113 : memref<125xi32, #tpu.memory_space<vmem>>) semaphore(%arg15 : memref<!tpu.dma_semaphore, #tpu.memory_space<semaphore_mem>>) {add = true}
    }
    %scan3A_40 = arith.constant 20 : i32
    %dma_wait3A_41 = arith.constant 38 : i32
    %dma_wait3A_42 = arith.constant 0 : i32
    %dma_wait3A_43 = tpu.memref_slice %arg8[%dma_wait3A_41, %dma_wait3A_42] : memref<40x125xi32, #tpu.memory_space<vmem>> -> memref<1x125xi32, #tpu.memory_space<vmem>>
    %dma_wait3A_44 = tpu.memref_squeeze %dma_wait3A_43 : memref<1x125xi32, #tpu.memory_space<vmem>> -> memref<125xi32, #tpu.memory_space<vmem>>
    %dma_wait3A_45 = arith.constant 0 : i32
    %dma_wait3A_46 = arith.constant 0 : i32
    %dma_wait3A_47 = tpu.memref_slice %arg11[%dma_wait3A_45, %dma_wait3A_46] : memref<10000x128xf32, #tpu.memory_space<vmem_shared>> -> memref<10000x128xf32, #tpu.memory_space<vmem_shared>>
    tpu.wait_indirect_dma semaphore(%arg14 : memref<!tpu.dma_semaphore, #tpu.memory_space<semaphore_mem>>) src(%arg9 : memref<125x128xf32, #tpu.memory_space<vmem>>) dst(%dma_wait3A_47 : memref<10000x128xf32, #tpu.memory_space<vmem_shared>>)
    %dma_wait3A_48 = arith.constant 39 : i32
    %dma_wait3A_49 = arith.constant 0 : i32
    %dma_wait3A_50 = tpu.memref_slice %arg8[%dma_wait3A_48, %dma_wait3A_49] : memref<40x125xi32, #tpu.memory_space<vmem>> -> memref<1x125xi32, #tpu.memory_space<vmem>>
    %dma_wait3A_51 = tpu.memref_squeeze %dma_wait3A_50 : memref<1x125xi32, #tpu.memory_space<vmem>> -> memref<125xi32, #tpu.memory_space<vmem>>
    %dma_wait3A_52 = arith.constant 0 : i32
    %dma_wait3A_53 = arith.constant 0 : i32
    %dma_wait3A_54 = tpu.memref_slice %arg11[%dma_wait3A_52, %dma_wait3A_53] : memref<10000x128xf32, #tpu.memory_space<vmem_shared>> -> memref<10000x128xf32, #tpu.memory_space<vmem_shared>>
    tpu.wait_indirect_dma semaphore(%arg15 : memref<!tpu.dma_semaphore, #tpu.memory_space<semaphore_mem>>) src(%arg10 : memref<125x128xf32, #tpu.memory_space<vmem>>) dst(%dma_wait3A_54 : memref<10000x128xf32, #tpu.memory_space<vmem_shared>>)
    %barrier3A_55 = arith.constant 0 : index
    tpu.barrier barrier_id(%barrier3A_55)
    %lt3A_56 = arith.constant 15 : i32
    %lt3A_57 = arith.cmpi slt, %arg1, %lt3A_56 : i32
    %convert_element_type3A_58 = arith.extui %lt3A_57 : i1 to i32
    %cond3A_59 = arith.constant 0 : i32
    %cond3A_60 = arith.cmpi ne, %convert_element_type3A_58, %cond3A_59 : i32
    scf.if %cond3A_60 {
      %mul3A_66 = arith.constant 632 : i32
      %mul3A_67 = arith.muli %arg1, %mul3A_66 : i32
      "tpu.region"() ({
        %run_scoped3A = tpu.sem_alloc : memref<!tpu.dma_semaphore, #tpu.memory_space<semaphore_mem>>
        %dma_start3A = arith.constant 0 : i32
        %dma_start3A_68 = arith.constant 0 : i32
        %dma_start3A_69 = tpu.memref_slice %arg6[%arg0, %dma_start3A, %dma_start3A_68] : memref<2x10000x128xf32, #tpu.memory_space<hbm>> -> memref<1x10000x128xf32, #tpu.memory_space<hbm>>
        %dma_start3A_70 = tpu.memref_squeeze %dma_start3A_69 : memref<1x10000x128xf32, #tpu.memory_space<hbm>> -> memref<10000x128xf32, #tpu.memory_space<hbm>>
        %dma_start3A_71 = arith.constant 0 : i32
        %dma_start3A_72 = tpu.memref_slice %dma_start3A_70[%mul3A_67, %dma_start3A_71] : memref<10000x128xf32, #tpu.memory_space<hbm>> -> memref<632x128xf32, #tpu.memory_space<hbm>>
        %dma_start3A_73 = arith.constant 0 : i32
        %dma_start3A_74 = tpu.memref_slice %arg11[%mul3A_67, %dma_start3A_73] : memref<10000x128xf32, #tpu.memory_space<vmem_shared>> -> memref<632x128xf32, #tpu.memory_space<vmem_shared>>
        tpu.enqueue_dma source(%dma_start3A_74 : memref<632x128xf32, #tpu.memory_space<vmem_shared>>) target(%dma_start3A_72 : memref<632x128xf32, #tpu.memory_space<hbm>>) target_semaphore(%run_scoped3A : memref<!tpu.dma_semaphore, #tpu.memory_space<semaphore_mem>>)
        %dma_wait3A_75 = arith.constant 0 : i32
        %dma_wait3A_76 = arith.constant 0 : i32
        %dma_wait3A_77 = tpu.memref_slice %arg6[%arg0, %dma_wait3A_75, %dma_wait3A_76] : memref<2x10000x128xf32, #tpu.memory_space<hbm>> -> memref<1x10000x128xf32, #tpu.memory_space<hbm>>
        %dma_wait3A_78 = tpu.memref_squeeze %dma_wait3A_77 : memref<1x10000x128xf32, #tpu.memory_space<hbm>> -> memref<10000x128xf32, #tpu.memory_space<hbm>>
        %dma_wait3A_79 = arith.constant 0 : i32
        %dma_wait3A_80 = tpu.memref_slice %dma_wait3A_78[%mul3A_67, %dma_wait3A_79] : memref<10000x128xf32, #tpu.memory_space<hbm>> -> memref<632x128xf32, #tpu.memory_space<hbm>>
        %dma_wait3A_81 = arith.constant 0 : i32
        %dma_wait3A_82 = tpu.memref_slice %arg11[%mul3A_67, %dma_wait3A_81] : memref<10000x128xf32, #tpu.memory_space<vmem_shared>> -> memref<632x128xf32, #tpu.memory_space<vmem_shared>>
        tpu.wait_dma2 semaphore(%run_scoped3A : memref<!tpu.dma_semaphore, #tpu.memory_space<semaphore_mem>>) src(%dma_wait3A_82 : memref<632x128xf32, #tpu.memory_space<vmem_shared>>) dst(%dma_wait3A_80 : memref<632x128xf32, #tpu.memory_space<hbm>>)
        tpu.yield
      }) : () -> ()
    } else {
    }
    %eq3A_61 = arith.constant 15 : i32
    %eq3A_62 = arith.cmpi eq, %arg1, %eq3A_61 : i32
    %convert_element_type3A_63 = arith.extui %eq3A_62 : i1 to i32
    %cond3A_64 = arith.constant 0 : i32
    %cond3A_65 = arith.cmpi ne, %convert_element_type3A_63, %cond3A_64 : i32
    scf.if %cond3A_65 {
      "tpu.region"() ({
        %run_scoped3A = tpu.sem_alloc : memref<!tpu.dma_semaphore, #tpu.memory_space<semaphore_mem>>
        %dma_start3A = arith.constant 0 : i32
        %dma_start3A_66 = arith.constant 0 : i32
        %dma_start3A_67 = tpu.memref_slice %arg6[%arg0, %dma_start3A, %dma_start3A_66] : memref<2x10000x128xf32, #tpu.memory_space<hbm>> -> memref<1x10000x128xf32, #tpu.memory_space<hbm>>
        %dma_start3A_68 = tpu.memref_squeeze %dma_start3A_67 : memref<1x10000x128xf32, #tpu.memory_space<hbm>> -> memref<10000x128xf32, #tpu.memory_space<hbm>>
        %dma_start3A_69 = arith.constant 9480 : i32
        %dma_start3A_70 = arith.constant 0 : i32
        %dma_start3A_71 = tpu.memref_slice %dma_start3A_68[%dma_start3A_69, %dma_start3A_70] : memref<10000x128xf32, #tpu.memory_space<hbm>> -> memref<520x128xf32, #tpu.memory_space<hbm>>
        %dma_start3A_72 = arith.constant 9480 : i32
        %dma_start3A_73 = arith.constant 0 : i32
        %dma_start3A_74 = tpu.memref_slice %arg11[%dma_start3A_72, %dma_start3A_73] : memref<10000x128xf32, #tpu.memory_space<vmem_shared>> -> memref<520x128xf32, #tpu.memory_space<vmem_shared>>
        tpu.enqueue_dma source(%dma_start3A_74 : memref<520x128xf32, #tpu.memory_space<vmem_shared>>) target(%dma_start3A_71 : memref<520x128xf32, #tpu.memory_space<hbm>>) target_semaphore(%run_scoped3A : memref<!tpu.dma_semaphore, #tpu.memory_space<semaphore_mem>>)
        %dma_wait3A_75 = arith.constant 0 : i32
        %dma_wait3A_76 = arith.constant 0 : i32
        %dma_wait3A_77 = tpu.memref_slice %arg6[%arg0, %dma_wait3A_75, %dma_wait3A_76] : memref<2x10000x128xf32, #tpu.memory_space<hbm>> -> memref<1x10000x128xf32, #tpu.memory_space<hbm>>
        %dma_wait3A_78 = tpu.memref_squeeze %dma_wait3A_77 : memref<1x10000x128xf32, #tpu.memory_space<hbm>> -> memref<10000x128xf32, #tpu.memory_space<hbm>>
        %dma_wait3A_79 = arith.constant 9480 : i32
        %dma_wait3A_80 = arith.constant 0 : i32
        %dma_wait3A_81 = tpu.memref_slice %dma_wait3A_78[%dma_wait3A_79, %dma_wait3A_80] : memref<10000x128xf32, #tpu.memory_space<hbm>> -> memref<520x128xf32, #tpu.memory_space<hbm>>
        %dma_wait3A_82 = arith.constant 9480 : i32
        %dma_wait3A_83 = arith.constant 0 : i32
        %dma_wait3A_84 = tpu.memref_slice %arg11[%dma_wait3A_82, %dma_wait3A_83] : memref<10000x128xf32, #tpu.memory_space<vmem_shared>> -> memref<520x128xf32, #tpu.memory_space<vmem_shared>>
        tpu.wait_dma2 semaphore(%run_scoped3A : memref<!tpu.dma_semaphore, #tpu.memory_space<semaphore_mem>>) src(%dma_wait3A_84 : memref<520x128xf32, #tpu.memory_space<vmem_shared>>) dst(%dma_wait3A_81 : memref<520x128xf32, #tpu.memory_space<hbm>>)
        tpu.yield
      }) : () -> ()
    } else {
    }
    return
  }
}

module attributes {stable_mosaic.version = 14 : i64} {
  func.func @_scale_body(%arg0: i32, %arg1: memref<2x2000x16xf32, #tpu.memory_space<vmem>>, %arg2: memref<2000x128xf32, #tpu.memory_space<vmem>>, %arg3: memref<2000x128xf32, #tpu.memory_space<vmem>>, %arg4: memref<2000x128xf32, #tpu.memory_space<vmem>>) attributes {dimension_semantics = [#tpu.dimension_semantics<arbitrary>], iteration_bounds = array<i64: 5>, scalar_prefetch = 0 : i64, scratch_operands = 0 : i64, tpu.core_type = #tpu.core_type<tc>, window_params = [{transform_indices = @transform_0, window_bounds = array<i64: 2, 2000, 16>}, {transform_indices = @transform_1, window_bounds = array<i64: 2000, 128>}, {transform_indices = @transform_2, window_bounds = array<i64: 2000, 128>}, {transform_indices = @transform_3, window_bounds = array<i64: 2000, 128>}]} {
    %get3A = arith.constant 0 : index
    %get3A_0 = arith.constant 0 : index
    %get3A_1 = arith.constant 0 : index
    %get3A_2 = vector.load %arg1[%get3A, %get3A_0, %get3A_1] : memref<2x2000x16xf32, #tpu.memory_space<vmem>>, vector<1x2000x1xf32>
    %get3A_3 = vector.shape_cast %get3A_2 : vector<1x2000x1xf32> to vector<2000x1xf32>
    %get3A_4 = arith.constant 1 : index
    %get3A_5 = arith.constant 0 : index
    %get3A_6 = arith.constant 0 : index
    %get3A_7 = vector.load %arg1[%get3A_4, %get3A_5, %get3A_6] : memref<2x2000x16xf32, #tpu.memory_space<vmem>>, vector<1x2000x1xf32>
    %get3A_8 = vector.shape_cast %get3A_7 : vector<1x2000x1xf32> to vector<2000x1xf32>
    %add3A = arith.addf %get3A_3, %get3A_8 : vector<2000x1xf32>
    %rsqrt3A = math.rsqrt %add3A : vector<2000x1xf32>
    %get3A_9 = arith.constant 0 : index
    %get3A_10 = arith.constant 0 : index
    %get3A_11 = vector.load %arg2[%get3A_9, %get3A_10] : memref<2000x128xf32, #tpu.memory_space<vmem>>, vector<2000x128xf32>
    %mul3A = vector.broadcast %rsqrt3A : vector<2000x1xf32> to vector<2000x128xf32>
    %mul3A_12 = arith.mulf %get3A_11, %mul3A : vector<2000x128xf32>
    %swap3A = arith.constant 0 : index
    %swap3A_13 = arith.constant 0 : index
    %swap3A_14 = vector.load %arg3[%swap3A, %swap3A_13] : memref<2000x128xf32, #tpu.memory_space<vmem>>, vector<2000x128xf32>
    tpu.vector_store %arg3[%swap3A, %swap3A_13], %mul3A_12 {strides = array<i32>} : memref<2000x128xf32, #tpu.memory_space<vmem>>, vector<2000x128xf32>,
    %broadcast_in_dim3A = vector.shape_cast %rsqrt3A : vector<2000x1xf32> to vector<2000x1xf32>
    %broadcast_in_dim3A_15 = vector.broadcast %broadcast_in_dim3A : vector<2000x1xf32> to vector<2000x128xf32>
    %swap3A_16 = arith.constant 0 : index
    %swap3A_17 = arith.constant 0 : index
    %swap3A_18 = vector.load %arg4[%swap3A_16, %swap3A_17] : memref<2000x128xf32, #tpu.memory_space<vmem>>, vector<2000x128xf32>
    tpu.vector_store %arg4[%swap3A_16, %swap3A_17], %broadcast_in_dim3A_15 {strides = array<i32>} : memref<2000x128xf32, #tpu.memory_space<vmem>>, vector<2000x128xf32>,
    return
  }
  func.func @transform_0(%arg0: i32) -> (i32, i32, i32) {
    %c0_i32 = arith.constant 0 : i32
    %c0_i32_0 = arith.constant 0 : i32
    %c0_i32_1 = arith.constant 0 : i32
    return %c0_i32, %arg0, %c0_i32_0 : i32, i32, i32
  }
  func.func @transform_1(%arg0: i32) -> (i32, i32) {
    %c0_i32 = arith.constant 0 : i32
    %c0_i32_0 = arith.constant 0 : i32
    return %arg0, %c0_i32 : i32, i32
  }
  func.func @transform_2(%arg0: i32) -> (i32, i32) {
    %c0_i32 = arith.constant 0 : i32
    %c0_i32_0 = arith.constant 0 : i32
    return %arg0, %c0_i32 : i32, i32
  }
  func.func @transform_3(%arg0: i32) -> (i32, i32) {
    %c0_i32 = arith.constant 0 : i32
    %c0_i32_0 = arith.constant 0 : i32
    return %arg0, %c0_i32 : i32, i32
  }
}

module attributes {stable_mosaic.version = 14 : i64} {
  func.func @_mlp_body(%arg0: i32, %arg1: memref<2x2000x128xf32, #tpu.memory_space<vmem>>, %arg2: memref<2000x128xf32, #tpu.memory_space<vmem>>, %arg3: memref<128x128xf32, #tpu.memory_space<vmem>>, %arg4: memref<1x128xf32, #tpu.memory_space<vmem>>, %arg5: memref<1x128xf32, #tpu.memory_space<vmem>>, %arg6: memref<1x128xf32, #tpu.memory_space<vmem>>, %arg7: memref<2000x128xf32, #tpu.memory_space<vmem>>) attributes {dimension_semantics = [#tpu.dimension_semantics<arbitrary>], iteration_bounds = array<i64: 5>, scalar_prefetch = 0 : i64, scratch_operands = 0 : i64, tpu.core_type = #tpu.core_type<tc>, window_params = [{transform_indices = @transform_0, window_bounds = array<i64: 2, 2000, 128>}, {transform_indices = @transform_1, window_bounds = array<i64: 2000, 128>}, {pipeline_mode = #tpu.pipeline_mode<synchronous>, transform_indices = @transform_2, window_bounds = array<i64: 128, 128>}, {pipeline_mode = #tpu.pipeline_mode<synchronous>, transform_indices = @transform_3, window_bounds = array<i64: 1, 128>}, {pipeline_mode = #tpu.pipeline_mode<synchronous>, transform_indices = @transform_4, window_bounds = array<i64: 1, 128>}, {pipeline_mode = #tpu.pipeline_mode<synchronous>, transform_indices = @transform_5, window_bounds = array<i64: 1, 128>}, {transform_indices = @transform_6, window_bounds = array<i64: 2000, 128>}]} {
    %get3A = arith.constant 0 : index
    %get3A_0 = arith.constant 0 : index
    %get3A_1 = arith.constant 0 : index
    %get3A_2 = vector.load %arg1[%get3A, %get3A_0, %get3A_1] : memref<2x2000x128xf32, #tpu.memory_space<vmem>>, vector<1x2000x128xf32>
    %get3A_3 = vector.shape_cast %get3A_2 : vector<1x2000x128xf32> to vector<2000x128xf32>
    %get3A_4 = arith.constant 1 : index
    %get3A_5 = arith.constant 0 : index
    %get3A_6 = arith.constant 0 : index
    %get3A_7 = vector.load %arg1[%get3A_4, %get3A_5, %get3A_6] : memref<2x2000x128xf32, #tpu.memory_space<vmem>>, vector<1x2000x128xf32>
    %get3A_8 = vector.shape_cast %get3A_7 : vector<1x2000x128xf32> to vector<2000x128xf32>
    %add3A = arith.addf %get3A_3, %get3A_8 : vector<2000x128xf32>
    %get3A_9 = arith.constant 0 : index
    %get3A_10 = arith.constant 0 : index
    %get3A_11 = vector.load %arg2[%get3A_9, %get3A_10] : memref<2000x128xf32, #tpu.memory_space<vmem>>, vector<2000x128xf32>
    %mul3A = arith.mulf %add3A, %get3A_11 : vector<2000x128xf32>
    %get3A_12 = arith.constant 0 : index
    %get3A_13 = arith.constant 0 : index
    %get3A_14 = vector.load %arg3[%get3A_12, %get3A_13] : memref<128x128xf32, #tpu.memory_space<vmem>>, vector<128x128xf32>
    %dot_general3A = arith.constant dense<0.000000e+00> : vector<2000x128xf32>
    %dot_general3A_15 = tpu.matmul %mul3A, %get3A_14, %dot_general3A {dimension_numbers = #tpu.dot_dimension_numbers<[1], [1], [0], [0], [0, 0, 1, 0], [], []>, transpose_lhs_hint = false} : vector<2000x128xf32>, vector<128x128xf32>, vector<2000x128xf32> -> vector<2000x128xf32>
    %get3A_16 = arith.constant 0 : index
    %get3A_17 = arith.constant 0 : index
    %get3A_18 = vector.load %arg4[%get3A_16, %get3A_17] : memref<1x128xf32, #tpu.memory_space<vmem>>, vector<1x128xf32>
    %add3A_19 = vector.broadcast %get3A_18 : vector<1x128xf32> to vector<2000x128xf32>
    %add3A_20 = arith.addf %dot_general3A_15, %add3A_19 : vector<2000x128xf32>
    %reduce_sum3A = arith.constant dense<0.000000e+00> : vector<2000xf32>
    %reduce_sum3A_21 = vector.multi_reduction <add>, %add3A_20, %reduce_sum3A [1] : vector<2000x128xf32> to vector<2000xf32>
    %broadcast_in_dim3A = vector.shape_cast %reduce_sum3A_21 : vector<2000xf32> to vector<2000x1xf32>
    %div3A = arith.constant 1.280000e+02 : f32
    %div3A_22 = vector.broadcast %div3A : f32 to vector<2000x1xf32>
    %div3A_23 = arith.divf %broadcast_in_dim3A, %div3A_22 : vector<2000x1xf32>
    %sub3A = vector.broadcast %div3A_23 : vector<2000x1xf32> to vector<2000x128xf32>
    %sub3A_24 = arith.subf %add3A_20, %sub3A : vector<2000x128xf32>
    %integer_pow3A = arith.mulf %sub3A_24, %sub3A_24 : vector<2000x128xf32>
    %reduce_sum3A_25 = arith.constant dense<0.000000e+00> : vector<2000xf32>
    %reduce_sum3A_26 = vector.multi_reduction <add>, %integer_pow3A, %reduce_sum3A_25 [1] : vector<2000x128xf32> to vector<2000xf32>
    %broadcast_in_dim3A_27 = vector.shape_cast %reduce_sum3A_26 : vector<2000xf32> to vector<2000x1xf32>
    %div3A_28 = arith.constant 1.280000e+02 : f32
    %div3A_29 = vector.broadcast %div3A_28 : f32 to vector<2000x1xf32>
    %div3A_30 = arith.divf %broadcast_in_dim3A_27, %div3A_29 : vector<2000x1xf32>
    %sub3A_31 = vector.broadcast %div3A_23 : vector<2000x1xf32> to vector<2000x128xf32>
    %sub3A_32 = arith.subf %add3A_20, %sub3A_31 : vector<2000x128xf32>
    %add3A_33 = arith.constant 9.99999974E-6 : f32
    %add3A_34 = vector.broadcast %add3A_33 : f32 to vector<2000x1xf32>
    %add3A_35 = arith.addf %div3A_30, %add3A_34 : vector<2000x1xf32>
    %rsqrt3A = math.rsqrt %add3A_35 : vector<2000x1xf32>
    %mul3A_36 = vector.broadcast %rsqrt3A : vector<2000x1xf32> to vector<2000x128xf32>
    %mul3A_37 = arith.mulf %sub3A_32, %mul3A_36 : vector<2000x128xf32>
    %get3A_38 = arith.constant 0 : index
    %get3A_39 = arith.constant 0 : index
    %get3A_40 = vector.load %arg5[%get3A_38, %get3A_39] : memref<1x128xf32, #tpu.memory_space<vmem>>, vector<1x128xf32>
    %mul3A_41 = vector.broadcast %get3A_40 : vector<1x128xf32> to vector<2000x128xf32>
    %mul3A_42 = arith.mulf %mul3A_37, %mul3A_41 : vector<2000x128xf32>
    %get3A_43 = arith.constant 0 : index
    %get3A_44 = arith.constant 0 : index
    %get3A_45 = vector.load %arg6[%get3A_43, %get3A_44] : memref<1x128xf32, #tpu.memory_space<vmem>>, vector<1x128xf32>
    %add3A_46 = vector.broadcast %get3A_45 : vector<1x128xf32> to vector<2000x128xf32>
    %add3A_47 = arith.addf %mul3A_42, %add3A_46 : vector<2000x128xf32>
    %ge3A = arith.constant 0.000000e+00 : f32
    %ge3A_48 = vector.broadcast %ge3A : f32 to vector<2000x128xf32>
    %ge3A_49 = arith.cmpf oge, %add3A_47, %ge3A_48 : vector<2000x128xf32>
    %mul3A_50 = arith.constant 0.00999999977 : f32
    %mul3A_51 = vector.broadcast %mul3A_50 : f32 to vector<2000x128xf32>
    %mul3A_52 = arith.mulf %mul3A_51, %add3A_47 : vector<2000x128xf32>
    %select_n3A = arith.select %ge3A_49, %add3A_47, %mul3A_52 : vector<2000x128xi1>, vector<2000x128xf32>
    %get3A_53 = arith.constant 0 : index
    %get3A_54 = arith.constant 0 : index
    %get3A_55 = vector.load %arg2[%get3A_53, %get3A_54] : memref<2000x128xf32, #tpu.memory_space<vmem>>, vector<2000x128xf32>
    %mul3A_56 = arith.mulf %select_n3A, %get3A_55 : vector<2000x128xf32>
    %swap3A = arith.constant 0 : index
    %swap3A_57 = arith.constant 0 : index
    %swap3A_58 = vector.load %arg7[%swap3A, %swap3A_57] : memref<2000x128xf32, #tpu.memory_space<vmem>>, vector<2000x128xf32>
    tpu.vector_store %arg7[%swap3A, %swap3A_57], %mul3A_56 {strides = array<i32>} : memref<2000x128xf32, #tpu.memory_space<vmem>>, vector<2000x128xf32>,
    return
  }
  func.func @transform_0(%arg0: i32) -> (i32, i32, i32) {
    %c0_i32 = arith.constant 0 : i32
    %c0_i32_0 = arith.constant 0 : i32
    %c0_i32_1 = arith.constant 0 : i32
    return %c0_i32, %arg0, %c0_i32_0 : i32, i32, i32
  }
  func.func @transform_1(%arg0: i32) -> (i32, i32) {
    %c0_i32 = arith.constant 0 : i32
    %c0_i32_0 = arith.constant 0 : i32
    return %arg0, %c0_i32 : i32, i32
  }
  func.func @transform_2(%arg0: i32) -> (i32, i32) {
    %c0_i32 = arith.constant 0 : i32
    %c0_i32_0 = arith.constant 0 : i32
    %c0_i32_1 = arith.constant 0 : i32
    return %c0_i32, %c0_i32_0 : i32, i32
  }
  func.func @transform_3(%arg0: i32) -> (i32, i32) {
    %c0_i32 = arith.constant 0 : i32
    %c0_i32_0 = arith.constant 0 : i32
    %c0_i32_1 = arith.constant 0 : i32
    return %c0_i32, %c0_i32_0 : i32, i32
  }
  func.func @transform_4(%arg0: i32) -> (i32, i32) {
    %c0_i32 = arith.constant 0 : i32
    %c0_i32_0 = arith.constant 0 : i32
    %c0_i32_1 = arith.constant 0 : i32
    return %c0_i32, %c0_i32_0 : i32, i32
  }
  func.func @transform_5(%arg0: i32) -> (i32, i32) {
    %c0_i32 = arith.constant 0 : i32
    %c0_i32_0 = arith.constant 0 : i32
    %c0_i32_1 = arith.constant 0 : i32
    return %c0_i32, %c0_i32_0 : i32, i32
  }
  func.func @transform_6(%arg0: i32) -> (i32, i32) {
    %c0_i32 = arith.constant 0 : i32
    %c0_i32_0 = arith.constant 0 : i32
    return %arg0, %c0_i32 : i32, i32
  }
}

module attributes {stable_mosaic.version = 14 : i64} {
  func.func @_final_body(%arg0: i32, %arg1: memref<2x2000x128xf32, #tpu.memory_space<vmem>>, %arg2: memref<2000x128xf32, #tpu.memory_space<vmem>>, %arg3: memref<128x128xf32, #tpu.memory_space<vmem>>, %arg4: memref<1x128xf32, #tpu.memory_space<vmem>>, %arg5: memref<2000x128xf32, #tpu.memory_space<vmem>>) attributes {dimension_semantics = [#tpu.dimension_semantics<arbitrary>], iteration_bounds = array<i64: 5>, scalar_prefetch = 0 : i64, scratch_operands = 0 : i64, tpu.core_type = #tpu.core_type<tc>, window_params = [{transform_indices = @transform_0, window_bounds = array<i64: 2, 2000, 128>}, {transform_indices = @transform_1, window_bounds = array<i64: 2000, 128>}, {pipeline_mode = #tpu.pipeline_mode<synchronous>, transform_indices = @transform_2, window_bounds = array<i64: 128, 128>}, {pipeline_mode = #tpu.pipeline_mode<synchronous>, transform_indices = @transform_3, window_bounds = array<i64: 1, 128>}, {transform_indices = @transform_4, window_bounds = array<i64: 2000, 128>}]} {
    %get3A = arith.constant 0 : index
    %get3A_0 = arith.constant 0 : index
    %get3A_1 = arith.constant 0 : index
    %get3A_2 = vector.load %arg1[%get3A, %get3A_0, %get3A_1] : memref<2x2000x128xf32, #tpu.memory_space<vmem>>, vector<1x2000x128xf32>
    %get3A_3 = vector.shape_cast %get3A_2 : vector<1x2000x128xf32> to vector<2000x128xf32>
    %get3A_4 = arith.constant 1 : index
    %get3A_5 = arith.constant 0 : index
    %get3A_6 = arith.constant 0 : index
    %get3A_7 = vector.load %arg1[%get3A_4, %get3A_5, %get3A_6] : memref<2x2000x128xf32, #tpu.memory_space<vmem>>, vector<1x2000x128xf32>
    %get3A_8 = vector.shape_cast %get3A_7 : vector<1x2000x128xf32> to vector<2000x128xf32>
    %add3A = arith.addf %get3A_3, %get3A_8 : vector<2000x128xf32>
    %get3A_9 = arith.constant 0 : index
    %get3A_10 = arith.constant 0 : index
    %get3A_11 = vector.load %arg2[%get3A_9, %get3A_10] : memref<2000x128xf32, #tpu.memory_space<vmem>>, vector<2000x128xf32>
    %mul3A = arith.mulf %add3A, %get3A_11 : vector<2000x128xf32>
    %get3A_12 = arith.constant 0 : index
    %get3A_13 = arith.constant 0 : index
    %get3A_14 = vector.load %arg3[%get3A_12, %get3A_13] : memref<128x128xf32, #tpu.memory_space<vmem>>, vector<128x128xf32>
    %dot_general3A = arith.constant dense<0.000000e+00> : vector<2000x128xf32>
    %dot_general3A_15 = tpu.matmul %mul3A, %get3A_14, %dot_general3A {dimension_numbers = #tpu.dot_dimension_numbers<[1], [1], [0], [0], [0, 0, 1, 0], [], []>, transpose_lhs_hint = false} : vector<2000x128xf32>, vector<128x128xf32>, vector<2000x128xf32> -> vector<2000x128xf32>
    %get3A_16 = arith.constant 0 : index
    %get3A_17 = arith.constant 0 : index
    %get3A_18 = vector.load %arg4[%get3A_16, %get3A_17] : memref<1x128xf32, #tpu.memory_space<vmem>>, vector<1x128xf32>
    %add3A_19 = vector.broadcast %get3A_18 : vector<1x128xf32> to vector<2000x128xf32>
    %add3A_20 = arith.addf %dot_general3A_15, %add3A_19 : vector<2000x128xf32>
    %swap3A = arith.constant 0 : index
    %swap3A_21 = arith.constant 0 : index
    %swap3A_22 = vector.load %arg5[%swap3A, %swap3A_21] : memref<2000x128xf32, #tpu.memory_space<vmem>>, vector<2000x128xf32>
    tpu.vector_store %arg5[%swap3A, %swap3A_21], %add3A_20 {strides = array<i32>} : memref<2000x128xf32, #tpu.memory_space<vmem>>, vector<2000x128xf32>,
    return
  }
  func.func @transform_0(%arg0: i32) -> (i32, i32, i32) {
    %c0_i32 = arith.constant 0 : i32
    %c0_i32_0 = arith.constant 0 : i32
    %c0_i32_1 = arith.constant 0 : i32
    return %c0_i32, %arg0, %c0_i32_0 : i32, i32, i32
  }
  func.func @transform_1(%arg0: i32) -> (i32, i32) {
    %c0_i32 = arith.constant 0 : i32
    %c0_i32_0 = arith.constant 0 : i32
    return %arg0, %c0_i32 : i32, i32
  }
  func.func @transform_2(%arg0: i32) -> (i32, i32) {
    %c0_i32 = arith.constant 0 : i32
    %c0_i32_0 = arith.constant 0 : i32
    %c0_i32_1 = arith.constant 0 : i32
    return %c0_i32, %c0_i32_0 : i32, i32
  }
  func.func @transform_3(%arg0: i32) -> (i32, i32) {
    %c0_i32 = arith.constant 0 : i32
    %c0_i32_0 = arith.constant 0 : i32
    %c0_i32_1 = arith.constant 0 : i32
    return %c0_i32, %c0_i32_0 : i32, i32
  }
  func.func @transform_4(%arg0: i32) -> (i32, i32) {
    %c0_i32 = arith.constant 0 : i32
    %c0_i32_0 = arith.constant 0 : i32
    return %arg0, %c0_i32 : i32, i32
  }
}

</mosaic_0001>

<sc_bundles>
// kernel: kernel.11.cloned.1.call-start
scs
__scs_entry_jumppad:
0x0: {  	(pc) =	sbr.rel $0x88, $3  }
0x1: {  	(tag) =	ssettag $0x0;
	lr =	simm.s32 $0x1  }
0x2: {  	[smem:$0x3F99] =	sst lr;
	_ =	strace $0xD0000000  }
0x3: {  	_ = 	snop  }
0x4: {  	_ = 	snop  }
0x5: {  	_ = 	snop  }
0x6: {  	_ = 	snop  }
0x7: {  	_ = 	snop  }
__scs_overlays_trampoline_lowered:
0x8: {  	[smem:$0x3FA8] =	sst s0  }
0x9: {  	[smem:$0x3FA9] =	sst s1  }
0xa: {  	[smem:$0x3FAA] =	sst s2  }
0xb: {  	[smem:$0x3FAB] =	sst s3  }
0xc: {  	[smem:$0x3FAC] =	sst s4  }
0xd: {  	[smem:$0x3FAD] =	sst s5  }
0xe: {  	[smem:$0x3FAE] =	sst s6  }
0xf: {  	[smem:$0x3FAF] =	sst s7  }
0x10: {  	[smem:$0x3FB0] =	sst s8  }
0x11: {  	[smem:$0x3FB1] =	sst s9;
	s0 =	simm.s32 @!p0 $0x0  }
0x12: {  	s1 =	sld [smem:$0x3F97];
	s0 =	simm.s32 @p0 $0x1  }
0x13: {  	[smem:$0x3FB2] =	sst s0;
	s0 =	simm.s32 @!p1 $0x0  }
0x14: {  	s2 =	sld [smem:$0x3F96];
	s0 =	simm.s32 @p1 $0x1  }
0x15: {  	[smem:$0x3FB3] =	sst s0;
	s0 =	simm.s32 @!p2 $0x0  }
0x16: {  	s3 =	sld [smem:$0x3FDB];
	s0 =	simm.s32 @p2 $0x1  }
0x17: {  	s4 =	simm.s32 $0x1BF5;
	[smem:$0x3FB5] =	sst s0  }
0x18: {  	s0 =	sld [smem:$0x3F98];
	_ =	swait.ge [sflag:s4], $0x0  }
0x19: {  	s7 =	sld [smem:$0x3F99]  }
0x1a: {  	s8 =	sadd.s32 $0xFFFFE003, lr  }
0x1b: {  	s9 =	sadd.s32 $0xFFFFFEF7, lr;
	s5 =	simm.s32 $0xFFFFFFFF;
	p2 =	slt.u32 s8, $0xFFFFF086  }
0x1c: {  	p1 =	slt.u32 s9, $0xF7A;
	s5 =	simm.s32 @!p2 $0x0  }
0x1d: {  	s5 =	simm.s32 @p1 $0x1;
	p0 =	seq.s32 s7, s2  }
0x1e: {  	s7 =	smul.u32 @!p0 $0xF7A, s2;
	p2 =	seq.s32 @!p0 s5, $0x0  }
0x1f: {  	s9 =	smul.u32 $0xF7A, s1;
	s8 =	simm.s32 @!p0 $0x1BF5;
	p2 =	por !p2, p0  }
0x20: {  	[sflag:s8] =	ssyncset.s32 @!p0 $0xFFFFF086;
	s6 =	sadd.s32 @!p0 s3, s7;
	s7 =	simm.s32 @!p0 $0x108  }
0x21: {  	s3 =	sadd.s32 s3, s9;
	s6 =	sadd.s32 @!p0 $0x88, s6;
	s7 =	simm.s32 @p2 $0x1082  }
0x22: {  	[simem:s7], [sflag:s8] =	dma.local @!p0 [hbm:s6], $0xF7A  }
0x23: {  	s9 =	sor.u32 $0xD0000000, s2;
	s6 =	simm.s32 $0x108;
	_ =	swait.ge @!p0 [sflag:s8], $0x0  }
0x24: {  	s3 =	sadd.s32 $0x88, s3;
	s6 =	simm.s32 @!p1 $0x1082;
	[sflag:s4] =	ssyncset.s32 $0xFFFFF086  }
0x25: {  	[simem:s6], [sflag:s4] =	dma.local [hbm:s3], $0xF7A  }
0x26: {  	[smem:$0x3F99] =	sst s1;
	(tag) =	ssettag s2;
	_ =	strace s9  }
0x27: {  	s1 =	sld [smem:$0x3FA9]  }
0x28: {  	s2 =	sld [smem:$0x3FAA]  }
0x29: {  	s4 =	sld [smem:$0x3FAC]  }
0x2a: {  	p0 =	seq.s32 s5, $0x0;
	s5 =	sld [smem:$0x3FAD]  }
0x2b: {  	s6 =	sld [smem:$0x3FAE]  }
0x2c: {  	s7 =	sld [smem:$0x3FAF]  }
0x2d: {  	s3 =	simm.s32 $0x108;
	s8 =	sld [smem:$0x3FB0]  }
0x2e: {  	s3 =	simm.s32 @!p0 $0x1082;
	s9 =	sld [smem:$0x3FB1]  }
0x2f: {  	lr =	sadd.s32 s0, s3;
	s0 =	sld [smem:$0x3FA8]  }
0x30: {  	s3 =	sld [smem:$0x3FAB]  }
0x31: {  	[smem:$0x3FB4] =	sst s10  }
0x32: {  	s10 =	sld [smem:$0x3FB2];
	_ =	sdelay $0x3  }
0x33: {  	p0 =	seq.s32 s10, $0x1;
	s10 =	sld [smem:$0x3FB4];
	_ =	sdelay $0x3  }
0x34: {  	[smem:$0x3FB4] =	sst s10  }
0x35: {  	s10 =	sld [smem:$0x3FB3];
	_ =	sdelay $0x3  }
0x36: {  	p1 =	seq.s32 s10, $0x1;
	s10 =	sld [smem:$0x3FB4];
	_ =	sdelay $0x3  }
0x37: {  	[smem:$0x3FB4] =	sst s10  }
0x38: {  	s10 =	sld [smem:$0x3FB5]  }
0x39: {  	_ = 	snop;
	(pc) =	sbr.ind lr, $3  }
0x3a: {  	_ = 	snop  }
0x3b: {  	_ = 	snop  }
0x3c: {  	p2 =	seq.s32 s10, $0x1;
	s10 =	sld [smem:$0x3FB4]  }
0x3d: {  	_ =	shalt  }
0x3e: {  	_ =	shalt  }
0x3f: {  	_ =	shalt  }
0x40: {  	_ =	shalt  }
0x41: {  	_ =	shalt  }
0x42: {  	_ =	shalt  }
0x43: {  	_ =	shalt  }
0x44: {  	_ =	shalt  }
0x45: {  	_ =	shalt  }
0x46: {  	_ =	shalt  }
0x47: {  	_ =	shalt  }
0x48: {  	_ =	shalt  }
0x49: {  	_ =	shalt  }
0x4a: {  	_ =	shalt  }
0x4b: {  	_ =	shalt  }
0x4c: {  	_ =	shalt  }
0x4d: {  	_ =	shalt  }
0x4e: {  	_ =	shalt  }
0x4f: {  	_ =	shalt  }
0x50: {  	_ =	shalt  }
0x51: {  	_ =	shalt  }
0x52: {  	_ =	shalt  }
0x53: {  	_ =	shalt  }
0x54: {  	_ =	shalt  }
0x55: {  	_ =	shalt  }
0x56: {  	_ =	shalt  }
0x57: {  	_ =	shalt  }
0x58: {  	_ =	shalt  }
0x59: {  	_ =	shalt  }
0x5a: {  	_ =	shalt  }
0x5b: {  	_ =	shalt  }
0x5c: {  	_ =	shalt  }
0x5d: {  	_ =	shalt  }
0x5e: {  	_ =	shalt  }
0x5f: {  	_ =	shalt  }
0x60: {  	_ =	shalt  }
0x61: {  	_ =	shalt  }
0x62: {  	_ =	shalt  }
0x63: {  	_ =	shalt  }
0x64: {  	_ =	shalt  }
0x65: {  	_ =	shalt  }
0x66: {  	_ =	shalt  }
0x67: {  	_ =	shalt  }
0x68: {  	_ =	shalt  }
0x69: {  	_ =	shalt  }
0x6a: {  	_ =	shalt  }
0x6b: {  	_ =	shalt  }
0x6c: {  	_ =	shalt  }
0x6d: {  	_ =	shalt  }
0x6e: {  	_ =	shalt  }
0x6f: {  	_ =	shalt  }
0x70: {  	_ =	shalt  }
0x71: {  	_ =	shalt  }
0x72: {  	_ =	shalt  }
0x73: {  	_ =	shalt  }
0x74: {  	_ =	shalt  }
0x75: {  	_ =	shalt  }
0x76: {  	_ =	shalt  }
0x77: {  	_ =	shalt  }
0x78: {  	_ =	shalt  }
0x79: {  	_ =	shalt  }
0x7a: {  	_ =	shalt  }
0x7b: {  	_ =	shalt  }
0x7c: {  	_ =	shalt  }
0x7d: {  	_ =	shalt  }
0x7e: {  	_ =	shalt  }
0x7f: {  	_ =	shalt  }
0x80: {  	_ =	shalt  }
0x81: {  	_ =	shalt  }
0x82: {  	_ =	shalt  }
0x83: {  	_ =	shalt  }
0x84: {  	_ =	shalt  }
0x85: {  	_ =	shalt  }
0x86: {  	_ =	shalt  }
0x87: {  	_ =	shalt  }
.Lfunc_end0:
.L_simem_size_0:
called_computation.1_lowered:
.L_overlay_start_0:
0x88: {  	s2 =	sld [smem:$0x3FD9]  }
0x89: {  	s3 =	sld [smem:$0x3FFE];
	_ =	sdelay $0x1  }
0x8a: {  	s1 =	srdreg.scid  }
0x8b: {  	s0 =	sand.u32 $0x1, s1  }
0x8c: {  	s17 =	sshll.u32 s0, $0xA;
	s2 =	sadd.s32 s3, s2  }
0x8d: {  	s2 =	sadd.s32 s2, s17  }
0x8e: {  	[smem:$0x3FC0] =	sst s2  }
0x8f: {  	_ = 	snop  }
0x90: {  	s2 =	sld [smem:$0x3FD0];
	(tm) =	ssettm $0x1  }
0x91: {  	s18 =	sld [smem:$0x3FFB];
	_ =	sdelay $0x3  }
0x92: {  	_ =	strace s18  }
0x93: {  	s3 =	sld [smem:$0x3FFC];
	_ =	sdelay $0x3  }
0x94: {  	_ =	strace s3  }
0x95: {  	s3 =	sld [smem:$0x3FFD];
	_ =	sdelay $0x3  }
0x96: {  	_ =	strace s3  }
0x97: {  	_ =	strace $0x8FFFFFFF  }
0x98: {  	s19 =	sld [smem:$0x3FDB];
	_ =	sdelay $0x1  }
0x99: {  	s4 =	simm.s32 $_scs_section_size  }
0x9a: {  	s5 =	simm.s32 $_size__tile_overlayer_lowered;
	s6 =	simm.s32 $_tile_overlayer_lowered  }
0x9b: {  	s22 =	simm.s32 $0x1BFF;
	s21 =	sshll.u32 s6, $0x1;
	s3 =	sadd.s32 s4, s19  }
0x9c: {  	s7 =	simm.s32 $0x0;
	s20 =	sshll.u32 s5, $0x1;
	s5 =	sadd.s32 s21, s3  }
0x9d: {  	[timem:s7], [sflag:s22] =	dma.local [hbm:s5], s20  }
0x9e: {  	_ =	swait.ge [sflag:s22], s20  }
0x9f: {  	s4 =	ssub.s32 $0x0, s20;
	[sflag:s22] =	ssyncset.done $0x0  }
0xa0: {  	[sflag:s22] =	ssyncadd.s32 s4;
	_ =	sdelay $0x1  }
0xa1: {  	s23 =	simm.s32 $0x1B8B  }
0xa2: {  	_ =	swait.ge [sflag:s23], $0x1  }
0xa3: {  	[sflag:s23] =	ssyncset.done $0x0  }
0xa4: {  	s25 =	simm.s32 $0x1B8E;
	s24 =	sld [smem:$0x3FFE];
	[sflag:s23] =	ssyncadd.s32 $0xFFFFFFFF  }
0xa5: {  	s26 =	simm.s32 $execute0_lowered;
	[smem:$0x3FD2] =	sst s25  }
0xa6: {  	s5 =	sshll.u32 s26, $0x1;
	_ =	strace $0x80000049;
	[dreg:$0x1] =	wrdreg $0xFFFFFFFF  }
0xa7: {  	s28 =	simm.s32 $_size_execute0_lowered;
	s3 =	sadd.s32 s3, s5;
	[dreg:$0x0] =	wrdreg $0x0  }
0xa8: {  	s5 =	sshll.u32 s28, $0x1;
	[dreg:$0x2] =	wrdreg s3  }
0xa9: {  	[dreg:$0x3] =	wrdreg s5  }
0xaa: {  	[dreg:$0x4] =	wrdreg $0xC0  }
0xab: {  	_ =	task [dreg:s7], $0x5FFFF  }
0xac: {  	[dreg:$0x1] =	wrdreg $0xFFFFFFFF  }
0xad: {  	[dreg:$0x0] =	wrdreg $0x60  }
0xae: {  	[dreg:$0x2] =	wrdreg s2  }
0xaf: {  	[dreg:$0x3] =	wrdreg s24  }
0xb0: {  	[dreg:$0x4] =	wrdreg $0xA8000  }
0xb1: {  	[dreg:$0x5] =	wrdreg $0x9  }
0xb2: {  	_ =	task.clear_ibuf [dreg:s7], $0x6FFFF;
	_ =	strace $0x90000049  }
0xb3: {  	s29 =	simm.s32 $0x9;
	_ =	strace $0x8000004B  }
0xb4: {  	_ =	swait.ge [sflag:s29], $0x1  }
0xb5: {  	[sflag:s29] =	ssyncadd.s32 $0xFFFFFFFF  }
0xb6: {  	_ =	strace $0x9000004B  }
0xb7: {  	_ =	sfence  }
0xb8: {  	s30 =	sld [smem:$0x0];
	_ =	sdelay $0x2  }
0xb9: {  	s31 =	sshll.u32 s1, $0xD;
	s1 =	sshrl.u32 s1, $0x2  }
0xba: {  	s3 =	sand.u32 $0x4000, s31;
	s1 =	sadd.s32 s1, s30  }
0xbb: {  	s0 =	sor.u32 s3, s0;
	s1 =	sshll.u32 s1, $0x11  }
0xbc: {  	s0 =	sor.u32 s1, s0  }
0xbd: {  	s0 =	sadd.s32 $0x8F2B, s0  }
0xbe: {  	[sflag:s0] =	ssyncadd.remote.s32 $0x1  }
0xbf: {  	_ =	sfence.sel $0xFFFF  }
0xc0: {  	[dreg:$0x0] =	wrdreg $0xFFFFFFFF;
	(pc) =	sbr.abs _section_cstart, $3  }
0xc1: {  	[dreg:$0x1] =	wrdreg $0xFFFFFFFF  }
0xc2: {  	_ =	task.clear_ibuf [dreg:s7], $0x2FFFF;
	_ =	strace $0x9FFFFFFF  }
0xc3: {  	(tm) =	ssettm $0x7FFFFFFF  }
tec
execute0_lowered:
.L_overlay_start_1:
0x0: {  	(tag) =	ssettag $0x1  }
0x1: {  	s1 =	rddreg [dreg:$0x0]  }
0x2: {  	s0 =	srdreg.scid;
	s7 =	rddreg [dreg:$0x1]  }
0x3: {  	s3 =	rddreg [dreg:$0x2];
	s4 =	simm.s32 $0x0;
	s16 =	simm.s32 $0x5  }
0x4: {  	s17 =	simm.s32 $0x1400;
	s18 =	simm.s32 $0x7D;
	s19 =	simm.s32 $0x2800  }
0x5: {  	s20 =	simm.s32 $0x80;
	s21 =	simm.s32 $0x6800;
	s22 =	simm.s32 $0x1  }
0x6: {  	s23 =	simm.s32 $0x2;
	s24 =	simm.s32 $0x1480;
	s25 =	simm.s32 $0x3  }
0x7: {  	s26 =	simm.s32 $0x4;
	s6 =	sand.u32 $0x1, s0;
	s0 =	stileid.u32  }
0x8: {  	s28 =	simm.s32 $0x0;
	[smem:$0x7FF] =	sst s4;
	s9 =	smul.u32 $0x4F000, s0  }
0x9: {  	s14 =	sadd.s32 $0x128400, s3;
	s2 =	sshll.u32 s6, $0x4;
	s31 =	smul.u32 $0x27100, s6  }
0xa: {  	s6 =	ssub.s32 $0x2, s6;
	p0 =	seq.s32 s0, $0xF;
	s5 =	sor.u32 s0, s2  }
0xb: {  	s2 =	rddreg [dreg:$0x3];
	_ =	strace $0x8000004A;
	s8 =	smul.u32 $0x500, s5  }
0xc: {  	s12 =	sshrl.u32 s6, $0x1;
	s5 =	smul.u32 $0x2780, s0;
	s9 =	sshrl.u32 s9, $0x2  }
0xd: {  	s13 =	sadd.s32 s31, s7;
	s12 =	ssub.s32 s6, s12;
	s15 =	sadd.s32 s9, s3  }
0xe: {  	s10 =	sadd.s32 s8, s7;
	s11 =	sadd.s32 s5, s7;
	s7 =	sadd.s32 $0x31280, s7  }
0xf: {  	s15 =	sshrl.u32 @!p0 s15, $0x3;
	s6 =	sadd.s32 $0xC200, s11;
	s8 =	sadd.s32 $0x5AC00, s10  }
0x10: {  	s9 =	sadd.s32 $0x2200, s10;
	s11 =	smax.u32 s12, $0x1;
	s12 =	sshll.u32 @!p0 s0, $0x6  }
0x11: {  	s10 =	sadd.s32 $0x64C00, s13;
	s13 =	sshrl.u32 @p0 s14, $0x3;
	s14 =	sor.u32 @!p0 $0x1C01, s12  }
.LBB2_1:
0x12: {  	s29 =	simm.s32 @p0 $0x1FC1  }
0x13: {  	[spmem:s13], [sflag:s29] =	dma.local @p0 [hbm:s7], $0x2080  }
0x14: {  	[spmem:s15], [sflag:s14] =	dma.local @!p0 [hbm:s6], $0x2780  }
0x15: {  	[tilespmem:s4], [sflag:$0x5] =	stream.linear.gather [hbm4b:s8+s4], $0x1400, $0x38;
	[tilespmem:$0x1E080] =	vst v63  }
0x16: {  	_ =	swait.ge [sflag:s16], $0x1400  }
0x17: {  	[sflag:s16] =	ssyncset.done $0x0  }
0x18: {  	[sflag:s16] =	ssyncadd.s32 $0xFFFFEC00  }
0x19: {  	[tilespmem:s17], [sflag:$0x5] =	stream.linear.gather [hbm4b:s9+s4], $0x1400, $0x38;
	[tilespmem:$0x1E080] =	vst v63  }
0x1a: {  	_ =	swait.ge [sflag:s16], $0x1400  }
0x1b: {  	[sflag:s16] =	ssyncset.done $0x0  }
0x1c: {  	s29 =	simm.s32 @p0 $0x1;
	[sflag:s16] =	ssyncadd.s32 $0xFFFFEC00  }
0x1d: {  	_ =	swait.ge @p0 [sflag:s29], $0x2080  }
0x1e: {  	[sflag:s29] =	ssyncset.done @p0 $0x0  }
0x1f: {  	[sflag:s29] =	ssyncadd.s32 @p0 $0xFFFFDF80;
	s29 =	simm.s32 @!p0 $0x1  }
0x20: {  	_ =	swait.ge @!p0 [sflag:s29], $0x2780  }
0x21: {  	[sflag:s29] =	ssyncset.done @!p0 $0x0  }
0x22: {  	[sflag:s29] =	ssyncadd.s32 @!p0 $0xFFFFD880  }
0x23: {  	[bflag:$0x0] =	sbarrier.arrive $0xFFFF  }
0x24: {  	[tilespmem:s19], [sflag:$0x1] =	stream.indirect.gather [hbm4b:s1+s18], $0x80, s4, s18, $0xb8;
	[tilespmem:$0x1E080] =	vst v63  }
0x25: {  	_ = 	snop  }
0x26: {  	[tilespmem:s21], [sflag:$0x2] =	stream.indirect.gather [hbm4b:s1+s18], $0x80, s20, s18, $0xb8;
	[tilespmem:$0x1E080] =	vst v63  }
0x27: {  	_ =	swait.ge [sflag:s22], $0x3E80  }
0x28: {  	[sflag:s22] =	ssyncset.done $0x0  }
0x29: {  	[sflag:s22] =	ssyncadd.s32 $0xFFFFC180  }
0x2a: {  	[spmem:s3] =	stream.indirect.scatter.add.f32 [tilespmem:s19], [sflag:$0x3], $0x80, s17, s18, $0xb8;
	[tilespmem:$0x1E080] =	vst v63  }
0x2b: {  	_ =	swait.ge [sflag:s23], $0x3E80  }
0x2c: {  	[sflag:s23] =	ssyncset.done $0x0  }
0x2d: {  	[sflag:s23] =	ssyncadd.s32 $0xFFFFC180  }
0x2e: {  	[spmem:s3] =	stream.indirect.scatter.add.f32 [tilespmem:s21], [sflag:$0x4], $0x80, s24, s18, $0xb8;
	[tilespmem:$0x1E080] =	vst v63  }
0x2f: {  	_ =	swait.ge [sflag:s25], $0x3E80  }
0x30: {  	[sflag:s25] =	ssyncset.done $0x0  }
0x31: {  	s29 =	simm.s32 $0x100;
	[sflag:s25] =	ssyncadd.s32 $0xFFFFC180  }
0x32: {  	[tilespmem:s19], [sflag:$0x1] =	stream.indirect.gather [hbm4b:s1+s18], $0x80, s29, s18, $0xb8;
	[tilespmem:$0x1E080] =	vst v63  }
0x33: {  	_ =	swait.ge [sflag:s26], $0x3E80  }
0x34: {  	[sflag:s26] =	ssyncset.done $0x0  }
0x35: {  	s29 =	simm.s32 $0x180;
	[sflag:s26] =	ssyncadd.s32 $0xFFFFC180  }
0x36: {  	[tilespmem:s21], [sflag:$0x2] =	stream.indirect.gather [hbm4b:s1+s18], $0x80, s29, s18, $0xb8;
	[tilespmem:$0x1E080] =	vst v63  }
0x37: {  	_ =	swait.ge [sflag:s22], $0x3E80  }
0x38: {  	[sflag:s22] =	ssyncset.done $0x0  }
0x39: {  	s29 =	simm.s32 $0x1500;
	[sflag:s22] =	ssyncadd.s32 $0xFFFFC180  }
0x3a: {  	[spmem:s3] =	stream.indirect.scatter.add.f32 [tilespmem:s19], [sflag:$0x3], $0x80, s29, s18, $0xb8;
	[tilespmem:$0x1E080] =	vst v63  }
0x3b: {  	_ =	swait.ge [sflag:s23], $0x3E80  }
0x3c: {  	[sflag:s23] =	ssyncset.done $0x0  }
0x3d: {  	s30 =	simm.s32 $0x1580;
	s29 =	simm.s32 $0xFFFFB800;
	[sflag:s23] =	ssyncadd.s32 $0xFFFFC180  }
.LBB2_2:
0x3e: {  	[spmem:s3] =	stream.indirect.scatter.add.f32 [tilespmem:s21], [sflag:$0x4], $0x80, s30, s18, $0xb8;
	[tilespmem:$0x1E080] =	vst v63  }
0x3f: {  	s30 =	smov.u32 s29  }
0x40: {  	p1 =	sne.s32 s29, $0xFFFFFC00;
	s29 =	sadd.s32 $0x400, s29;
	_ =	swait.ge [sflag:s25], $0x3E80  }
0x41: {  	s30 =	sshra.s32 s30, $0x2;
	[sflag:s25] =	ssyncset.done $0x0  }
0x42: {  	s31 =	sadd.s32 $0x1400, s30;
	[sflag:s25] =	ssyncadd.s32 $0xFFFFC180  }
0x43: {  	[tilespmem:s19], [sflag:$0x1] =	stream.indirect.gather [hbm4b:s1+s18], $0x80, s31, s18, $0xb8;
	[tilespmem:$0x1E080] =	vst v63  }
0x44: {  	_ =	swait.ge [sflag:s26], $0x3E80  }
0x45: {  	[sflag:s26] =	ssyncset.done $0x0  }
0x46: {  	s31 =	sadd.s32 $0x1480, s30;
	[sflag:s26] =	ssyncadd.s32 $0xFFFFC180  }
0x47: {  	[tilespmem:s21], [sflag:$0x2] =	stream.indirect.gather [hbm4b:s1+s18], $0x80, s31, s18, $0xb8;
	[tilespmem:$0x1E080] =	vst v63  }
0x48: {  	_ =	swait.ge [sflag:s22], $0x3E80  }
0x49: {  	[sflag:s22] =	ssyncset.done $0x0  }
.Ltmp0:
0x4a: {  	s31 =	sadd.s32 $0x2800, s30;
	[sflag:s22] =	ssyncadd.s32 $0xFFFFC180;
	(pc) =	sbr.rel @p1 .LBB2_2-.Ltmp0, $4  }
0x4b: {  	[spmem:s3] =	stream.indirect.scatter.add.f32 [tilespmem:s19], [sflag:$0x3], $0x80, s31, s18, $0xb8;
	[tilespmem:$0x1E080] =	vst v63  }
0x4c: {  	_ =	swait.ge [sflag:s23], $0x3E80  }
0x4d: {  	[sflag:s23] =	ssyncset.done $0x0  }
0x4e: {  	s30 =	sadd.s32 $0x2880, s30;
	[sflag:s23] =	ssyncadd.s32 $0xFFFFC180  }
0x4f: {  	[spmem:s3] =	stream.indirect.scatter.add.f32 [tilespmem:s21], [sflag:$0x4], $0x80, s30, s18, $0xb8;
	[tilespmem:$0x1E080] =	vst v63  }
0x50: {  	_ =	swait.ge [sflag:s25], $0x3E80  }
0x51: {  	[sflag:s25] =	ssyncset.done $0x0  }
0x52: {  	[sflag:s25] =	ssyncadd.s32 $0xFFFFC180  }
0x53: {  	_ =	swait.ge [sflag:s26], $0x3E80  }
0x54: {  	[sflag:s26] =	ssyncset.done $0x0  }
0x55: {  	s29 =	sadd.s32 $0x280, s8;
	[sflag:s26] =	ssyncadd.s32 $0xFFFFC180  }
0x56: {  	[tilespmem:s4], [sflag:$0x5] =	stream.linear.gather [hbm4b:s29+s4], $0x1400, $0x38;
	[tilespmem:$0x1E080] =	vst v63  }
0x57: {  	_ =	swait.ge [sflag:s16], $0x1400  }
0x58: {  	[sflag:s16] =	ssyncset.done $0x0  }
0x59: {  	s29 =	sadd.s32 $0x280, s9;
	[sflag:s16] =	ssyncadd.s32 $0xFFFFEC00  }
0x5a: {  	[tilespmem:s17], [sflag:$0x5] =	stream.linear.gather [hbm4b:s29+s4], $0x1400, $0x38;
	[tilespmem:$0x1E080] =	vst v63  }
0x5b: {  	_ =	swait.ge [sflag:s16], $0x1400  }
0x5c: {  	[sflag:s16] =	ssyncset.done $0x0  }
0x5d: {  	[sflag:s16] =	ssyncadd.s32 $0xFFFFEC00  }
0x5e: {  	[tilespmem:s19], [sflag:$0x1] =	stream.indirect.gather [hbm4b:s1+s18], $0x80, s4, s18, $0xb8;
	[tilespmem:$0x1E080] =	vst v63  }
0x5f: {  	_ = 	snop  }
0x60: {  	[tilespmem:s21], [sflag:$0x2] =	stream.indirect.gather [hbm4b:s1+s18], $0x80, s20, s18, $0xb8;
	[tilespmem:$0x1E080] =	vst v63  }
0x61: {  	_ =	swait.ge [sflag:s22], $0x3E80  }
0x62: {  	[sflag:s22] =	ssyncset.done $0x0  }
0x63: {  	[sflag:s22] =	ssyncadd.s32 $0xFFFFC180  }
0x64: {  	[spmem:s3] =	stream.indirect.scatter.add.f32 [tilespmem:s19], [sflag:$0x3], $0x80, s17, s18, $0xb8;
	[tilespmem:$0x1E080] =	vst v63  }
0x65: {  	_ =	swait.ge [sflag:s23], $0x3E80  }
0x66: {  	[sflag:s23] =	ssyncset.done $0x0  }
0x67: {  	[sflag:s23] =	ssyncadd.s32 $0xFFFFC180  }
0x68: {  	[spmem:s3] =	stream.indirect.scatter.add.f32 [tilespmem:s21], [sflag:$0x4], $0x80, s24, s18, $0xb8;
	[tilespmem:$0x1E080] =	vst v63  }
0x69: {  	_ =	swait.ge [sflag:s25], $0x3E80  }
0x6a: {  	[sflag:s25] =	ssyncset.done $0x0  }
0x6b: {  	s29 =	simm.s32 $0x100;
	[sflag:s25] =	ssyncadd.s32 $0xFFFFC180  }
0x6c: {  	[tilespmem:s19], [sflag:$0x1] =	stream.indirect.gather [hbm4b:s1+s18], $0x80, s29, s18, $0xb8;
	[tilespmem:$0x1E080] =	vst v63  }
0x6d: {  	_ =	swait.ge [sflag:s26], $0x3E80  }
0x6e: {  	[sflag:s26] =	ssyncset.done $0x0  }
0x6f: {  	s29 =	simm.s32 $0x180;
	[sflag:s26] =	ssyncadd.s32 $0xFFFFC180  }
0x70: {  	[tilespmem:s21], [sflag:$0x2] =	stream.indirect.gather [hbm4b:s1+s18], $0x80, s29, s18, $0xb8;
	[tilespmem:$0x1E080] =	vst v63  }
0x71: {  	_ =	swait.ge [sflag:s22], $0x3E80  }
0x72: {  	[sflag:s22] =	ssyncset.done $0x0  }
0x73: {  	s29 =	simm.s32 $0x1500;
	[sflag:s22] =	ssyncadd.s32 $0xFFFFC180  }
0x74: {  	[spmem:s3] =	stream.indirect.scatter.add.f32 [tilespmem:s19], [sflag:$0x3], $0x80, s29, s18, $0xb8;
	[tilespmem:$0x1E080] =	vst v63  }
0x75: {  	_ =	swait.ge [sflag:s23], $0x3E80  }
0x76: {  	[sflag:s23] =	ssyncset.done $0x0  }
0x77: {  	s30 =	simm.s32 $0x1580;
	s29 =	simm.s32 $0xFFFFB800;
	[sflag:s23] =	ssyncadd.s32 $0xFFFFC180  }
.LBB2_4:
0x78: {  	[spmem:s3] =	stream.indirect.scatter.add.f32 [tilespmem:s21], [sflag:$0x4], $0x80, s30, s18, $0xb8;
	[tilespmem:$0x1E080] =	vst v63  }
0x79: {  	s30 =	smov.u32 s29  }
0x7a: {  	p1 =	sne.s32 s29, $0xFFFFFC00;
	s29 =	sadd.s32 $0x400, s29;
	_ =	swait.ge [sflag:s25], $0x3E80  }
0x7b: {  	s30 =	sshra.s32 s30, $0x2;
	[sflag:s25] =	ssyncset.done $0x0  }
0x7c: {  	s31 =	sadd.s32 $0x1400, s30;
	[sflag:s25] =	ssyncadd.s32 $0xFFFFC180  }
0x7d: {  	[tilespmem:s19], [sflag:$0x1] =	stream.indirect.gather [hbm4b:s1+s18], $0x80, s31, s18, $0xb8;
	[tilespmem:$0x1E080] =	vst v63  }
0x7e: {  	_ =	swait.ge [sflag:s26], $0x3E80  }
0x7f: {  	[sflag:s26] =	ssyncset.done $0x0  }
0x80: {  	s31 =	sadd.s32 $0x1480, s30;
	[sflag:s26] =	ssyncadd.s32 $0xFFFFC180  }
0x81: {  	[tilespmem:s21], [sflag:$0x2] =	stream.indirect.gather [hbm4b:s1+s18], $0x80, s31, s18, $0xb8;
	[tilespmem:$0x1E080] =	vst v63  }
0x82: {  	_ =	swait.ge [sflag:s22], $0x3E80  }
0x83: {  	[sflag:s22] =	ssyncset.done $0x0  }
.Ltmp1:
0x84: {  	s31 =	sadd.s32 $0x2800, s30;
	[sflag:s22] =	ssyncadd.s32 $0xFFFFC180;
	(pc) =	sbr.rel @p1 .LBB2_4-.Ltmp1, $4  }
0x85: {  	[spmem:s3] =	stream.indirect.scatter.add.f32 [tilespmem:s19], [sflag:$0x3], $0x80, s31, s18, $0xb8;
	[tilespmem:$0x1E080] =	vst v63  }
0x86: {  	_ =	swait.ge [sflag:s23], $0x3E80  }
0x87: {  	[sflag:s23] =	ssyncset.done $0x0  }
0x88: {  	s30 =	sadd.s32 $0x2880, s30;
	[sflag:s23] =	ssyncadd.s32 $0xFFFFC180  }
0x89: {  	[spmem:s3] =	stream.indirect.scatter.add.f32 [tilespmem:s21], [sflag:$0x4], $0x80, s30, s18, $0xb8;
	[tilespmem:$0x1E080] =	vst v63  }
0x8a: {  	_ =	swait.ge [sflag:s25], $0x3E80  }
0x8b: {  	[sflag:s25] =	ssyncset.done $0x0  }
0x8c: {  	[sflag:s25] =	ssyncadd.s32 $0xFFFFC180  }
0x8d: {  	_ =	swait.ge [sflag:s26], $0x3E80  }
0x8e: {  	[sflag:s26] =	ssyncset.done $0x0  }
0x8f: {  	[sflag:s26] =	ssyncadd.s32 $0xFFFFC180  }
0x90: {  	s29 =	sadd.s32 @p0 $0x25080, s10;
	s30 =	simm.s32 @p0 $0x1FC5;
	[bflag:$0x0] =	sbarrier.arrive $0xFFFF  }
0x91: {  	[hbm:s29], [sflag:s30] =	dma.local @p0 [spmem:s13], $0x2080  }
0x92: {  	s29 =	simm.s32 @p0 $0x5  }
0x93: {  	s28 =	sadd.s32 $0x1, s28;
	_ =	swait.ge @p0 [sflag:s29], $0x2080  }
0x94: {  	p1 =	sne.s32 s28, s11;
	[sflag:s29] =	ssyncset.done @p0 $0x0  }
0x95: {  	s30 =	sor.u32 @!p0 $0x1C05, s12;
	[sflag:s29] =	ssyncadd.s32 @p0 $0xFFFFDF80;
	s29 =	sadd.s32 @!p0 s5, s10  }
0x96: {  	[hbm:s29], [sflag:s30] =	dma.local @!p0 [spmem:s15], $0x2780  }
.Ltmp2:
0x97: {  	_ = 	snop;
	(pc) =	sbr.rel @p1 .LBB2_1-.Ltmp2, $4  }
0x98: {  	s29 =	simm.s32 @!p0 $0x5  }
0x99: {  	_ =	swait.ge @!p0 [sflag:s29], $0x2780  }
0x9a: {  	[sflag:s29] =	ssyncset.done @!p0 $0x0  }
0x9b: {  	[sflag:s29] =	ssyncadd.s32 @!p0 $0xFFFFD880  }
0x9c: {  	_ =	sfence.sel $0x180000  }
0x9d: {  	[bflag:$0x0] =	sbarrier.arrive $0xFFFF  }
0x9e: {  	p0 =	sne.s32 s0, $0x0;
	_ =	strace $0x9000004A  }
0x9f: {  	s0 =	sadd.s32 @!p0 $0x100000, s2;
	[bflag:$0x2] =	sbarrier.arrive $0xFFFF  }
0xa0: {  	[sflag:s0] =	ssyncadd.tile.s32 @!p0 $0x1;
	_ =	shalt  }
.Lfunc_end2:
_tile_overlayer_lowered:
.L_overlay_start_2:
0xa1: {  	(tag) =	ssettag $0x2  }
0xa2: {  	s0 =	rddreg [dreg:$0x0];
	s2 =	stileid.u32  }
0xa3: {  	s1 =	rddreg [dreg:$0x1];
	p0 =	sne.s32 s2, $0x0  }
0xa4: {  	s3 =	rddreg [dreg:$0x2];
	[bflag:$0x3] =	sbarrier.arrive $0xFFFF;
	s2 =	simm.s32 @!p0 $0x1C05  }
0xa5: {  	[timem:s3], [sflag:s2] =	dma.local @!p0 [hbm:s0], s1  }
0xa6: {  	s0 =	simm.s32 @!p0 $0x5  }
0xa7: {  	_ =	swait.ge @!p0 [sflag:s0], s1  }
0xa8: {  	s1 =	ssub.s32 @!p0 $0x0, s1;
	[sflag:s0] =	ssyncset.done @!p0 $0x0  }
0xa9: {  	[sflag:s0] =	ssyncadd.s32 @!p0 s1  }
0xaa: {  	[bflag:$0x3] =	sbarrier.arrive $0xFFFF  }
0xab: {  	_ =	shalt  }

// kernel: kernel.14.cloned.1.call-start
scs
__scs_entry_jumppad:
0x0: {  	(pc) =	sbr.rel $0x88, $3  }
0x1: {  	(tag) =	ssettag $0x0;
	lr =	simm.s32 $0x1  }
0x2: {  	[smem:$0x3F99] =	sst lr;
	_ =	strace $0xD0000000  }
0x3: {  	_ = 	snop  }
0x4: {  	_ = 	snop  }
0x5: {  	_ = 	snop  }
0x6: {  	_ = 	snop  }
0x7: {  	_ = 	snop  }
__scs_overlays_trampoline_lowered:
0x8: {  	[smem:$0x3FA8] =	sst s0  }
0x9: {  	[smem:$0x3FA9] =	sst s1  }
0xa: {  	[smem:$0x3FAA] =	sst s2  }
0xb: {  	[smem:$0x3FAB] =	sst s3  }
0xc: {  	[smem:$0x3FAC] =	sst s4  }
0xd: {  	[smem:$0x3FAD] =	sst s5  }
0xe: {  	[smem:$0x3FAE] =	sst s6  }
0xf: {  	[smem:$0x3FAF] =	sst s7  }
0x10: {  	[smem:$0x3FB0] =	sst s8  }
0x11: {  	[smem:$0x3FB1] =	sst s9;
	s0 =	simm.s32 @!p0 $0x0  }
0x12: {  	s1 =	sld [smem:$0x3F97];
	s0 =	simm.s32 @p0 $0x1  }
0x13: {  	[smem:$0x3FB2] =	sst s0;
	s0 =	simm.s32 @!p1 $0x0  }
0x14: {  	s2 =	sld [smem:$0x3F96];
	s0 =	simm.s32 @p1 $0x1  }
0x15: {  	[smem:$0x3FB3] =	sst s0;
	s0 =	simm.s32 @!p2 $0x0  }
0x16: {  	s3 =	sld [smem:$0x3FDB];
	s0 =	simm.s32 @p2 $0x1  }
0x17: {  	s4 =	simm.s32 $0x1BF5;
	[smem:$0x3FB5] =	sst s0  }
0x18: {  	s0 =	sld [smem:$0x3F98];
	_ =	swait.ge [sflag:s4], $0x0  }
0x19: {  	s7 =	sld [smem:$0x3F99]  }
0x1a: {  	s8 =	sadd.s32 $0xFFFFE003, lr  }
0x1b: {  	s9 =	sadd.s32 $0xFFFFFEF7, lr;
	s5 =	simm.s32 $0xFFFFFFFF;
	p2 =	slt.u32 s8, $0xFFFFF086  }
0x1c: {  	p1 =	slt.u32 s9, $0xF7A;
	s5 =	simm.s32 @!p2 $0x0  }
0x1d: {  	s5 =	simm.s32 @p1 $0x1;
	p0 =	seq.s32 s7, s2  }
0x1e: {  	s7 =	smul.u32 @!p0 $0xF7A, s2;
	p2 =	seq.s32 @!p0 s5, $0x0  }
0x1f: {  	s9 =	smul.u32 $0xF7A, s1;
	s8 =	simm.s32 @!p0 $0x1BF5;
	p2 =	por !p2, p0  }
0x20: {  	[sflag:s8] =	ssyncset.s32 @!p0 $0xFFFFF086;
	s6 =	sadd.s32 @!p0 s3, s7;
	s7 =	simm.s32 @!p0 $0x108  }
0x21: {  	s3 =	sadd.s32 s3, s9;
	s6 =	sadd.s32 @!p0 $0x88, s6;
	s7 =	simm.s32 @p2 $0x1082  }
0x22: {  	[simem:s7], [sflag:s8] =	dma.local @!p0 [hbm:s6], $0xF7A  }
0x23: {  	s9 =	sor.u32 $0xD0000000, s2;
	s6 =	simm.s32 $0x108;
	_ =	swait.ge @!p0 [sflag:s8], $0x0  }
0x24: {  	s3 =	sadd.s32 $0x88, s3;
	s6 =	simm.s32 @!p1 $0x1082;
	[sflag:s4] =	ssyncset.s32 $0xFFFFF086  }
0x25: {  	[simem:s6], [sflag:s4] =	dma.local [hbm:s3], $0xF7A  }
0x26: {  	[smem:$0x3F99] =	sst s1;
	(tag) =	ssettag s2;
	_ =	strace s9  }
0x27: {  	s1 =	sld [smem:$0x3FA9]  }
0x28: {  	s2 =	sld [smem:$0x3FAA]  }
0x29: {  	s4 =	sld [smem:$0x3FAC]  }
0x2a: {  	p0 =	seq.s32 s5, $0x0;
	s5 =	sld [smem:$0x3FAD]  }
0x2b: {  	s6 =	sld [smem:$0x3FAE]  }
0x2c: {  	s7 =	sld [smem:$0x3FAF]  }
0x2d: {  	s3 =	simm.s32 $0x108;
	s8 =	sld [smem:$0x3FB0]  }
0x2e: {  	s3 =	simm.s32 @!p0 $0x1082;
	s9 =	sld [smem:$0x3FB1]  }
0x2f: {  	lr =	sadd.s32 s0, s3;
	s0 =	sld [smem:$0x3FA8]  }
0x30: {  	s3 =	sld [smem:$0x3FAB]  }
0x31: {  	[smem:$0x3FB4] =	sst s10  }
0x32: {  	s10 =	sld [smem:$0x3FB2];
	_ =	sdelay $0x3  }
0x33: {  	p0 =	seq.s32 s10, $0x1;
	s10 =	sld [smem:$0x3FB4];
	_ =	sdelay $0x3  }
0x34: {  	[smem:$0x3FB4] =	sst s10  }
0x35: {  	s10 =	sld [smem:$0x3FB3];
	_ =	sdelay $0x3  }
0x36: {  	p1 =	seq.s32 s10, $0x1;
	s10 =	sld [smem:$0x3FB4];
	_ =	sdelay $0x3  }
0x37: {  	[smem:$0x3FB4] =	sst s10  }
0x38: {  	s10 =	sld [smem:$0x3FB5]  }
0x39: {  	_ = 	snop;
	(pc) =	sbr.ind lr, $3  }
0x3a: {  	_ = 	snop  }
0x3b: {  	_ = 	snop  }
0x3c: {  	p2 =	seq.s32 s10, $0x1;
	s10 =	sld [smem:$0x3FB4]  }
0x3d: {  	_ =	shalt  }
0x3e: {  	_ =	shalt  }
0x3f: {  	_ =	shalt  }
0x40: {  	_ =	shalt  }
0x41: {  	_ =	shalt  }
0x42: {  	_ =	shalt  }
0x43: {  	_ =	shalt  }
0x44: {  	_ =	shalt  }
0x45: {  	_ =	shalt  }
0x46: {  	_ =	shalt  }
0x47: {  	_ =	shalt  }
0x48: {  	_ =	shalt  }
0x49: {  	_ =	shalt  }
0x4a: {  	_ =	shalt  }
0x4b: {  	_ =	shalt  }
0x4c: {  	_ =	shalt  }
0x4d: {  	_ =	shalt  }
0x4e: {  	_ =	shalt  }
0x4f: {  	_ =	shalt  }
0x50: {  	_ =	shalt  }
0x51: {  	_ =	shalt  }
0x52: {  	_ =	shalt  }
0x53: {  	_ =	shalt  }
0x54: {  	_ =	shalt  }
0x55: {  	_ =	shalt  }
0x56: {  	_ =	shalt  }
0x57: {  	_ =	shalt  }
0x58: {  	_ =	shalt  }
0x59: {  	_ =	shalt  }
0x5a: {  	_ =	shalt  }
0x5b: {  	_ =	shalt  }
0x5c: {  	_ =	shalt  }
0x5d: {  	_ =	shalt  }
0x5e: {  	_ =	shalt  }
0x5f: {  	_ =	shalt  }
0x60: {  	_ =	shalt  }
0x61: {  	_ =	shalt  }
0x62: {  	_ =	shalt  }
0x63: {  	_ =	shalt  }
0x64: {  	_ =	shalt  }
0x65: {  	_ =	shalt  }
0x66: {  	_ =	shalt  }
0x67: {  	_ =	shalt  }
0x68: {  	_ =	shalt  }
0x69: {  	_ =	shalt  }
0x6a: {  	_ =	shalt  }
0x6b: {  	_ =	shalt  }
0x6c: {  	_ =	shalt  }
0x6d: {  	_ =	shalt  }
0x6e: {  	_ =	shalt  }
0x6f: {  	_ =	shalt  }
0x70: {  	_ =	shalt  }
0x71: {  	_ =	shalt  }
0x72: {  	_ =	shalt  }
0x73: {  	_ =	shalt  }
0x74: {  	_ =	shalt  }
0x75: {  	_ =	shalt  }
0x76: {  	_ =	shalt  }
0x77: {  	_ =	shalt  }
0x78: {  	_ =	shalt  }
0x79: {  	_ =	shalt  }
0x7a: {  	_ =	shalt  }
0x7b: {  	_ =	shalt  }
0x7c: {  	_ =	shalt  }
0x7d: {  	_ =	shalt  }
0x7e: {  	_ =	shalt  }
0x7f: {  	_ =	shalt  }
0x80: {  	_ =	shalt  }
0x81: {  	_ =	shalt  }
0x82: {  	_ =	shalt  }
0x83: {  	_ =	shalt  }
0x84: {  	_ =	shalt  }
0x85: {  	_ =	shalt  }
0x86: {  	_ =	shalt  }
0x87: {  	_ =	shalt  }
.Lfunc_end0:
.L_simem_size_0:
called_computation.2_lowered:
.L_overlay_start_0:
0x88: {  	s2 =	sld [smem:$0x3FD9]  }
0x89: {  	s3 =	sld [smem:$0x3FFE];
	_ =	sdelay $0x1  }
0x8a: {  	s1 =	srdreg.scid  }
0x8b: {  	s0 =	sand.u32 $0x1, s1  }
0x8c: {  	s17 =	sshll.u32 s0, $0xA;
	s2 =	sadd.s32 s3, s2  }
0x8d: {  	s2 =	sadd.s32 s2, s17  }
0x8e: {  	[smem:$0x3FC0] =	sst s2  }
0x8f: {  	_ = 	snop  }
0x90: {  	s2 =	sld [smem:$0x3FD0];
	(tm) =	ssettm $0x1  }
0x91: {  	s18 =	sld [smem:$0x3FFB];
	_ =	sdelay $0x3  }
0x92: {  	_ =	strace s18  }
0x93: {  	s3 =	sld [smem:$0x3FFC];
	_ =	sdelay $0x3  }
0x94: {  	_ =	strace s3  }
0x95: {  	s3 =	sld [smem:$0x3FFD];
	_ =	sdelay $0x3  }
0x96: {  	_ =	strace s3  }
0x97: {  	_ =	strace $0x8FFFFFFF  }
0x98: {  	s19 =	sld [smem:$0x3FDB];
	_ =	sdelay $0x1  }
0x99: {  	s4 =	simm.s32 $_scs_section_size  }
0x9a: {  	s5 =	simm.s32 $_size__tile_overlayer_lowered;
	s6 =	simm.s32 $_tile_overlayer_lowered  }
0x9b: {  	s22 =	simm.s32 $0x1BFF;
	s21 =	sshll.u32 s6, $0x1;
	s3 =	sadd.s32 s4, s19  }
0x9c: {  	s7 =	simm.s32 $0x0;
	s20 =	sshll.u32 s5, $0x1;
	s5 =	sadd.s32 s21, s3  }
0x9d: {  	[timem:s7], [sflag:s22] =	dma.local [hbm:s5], s20  }
0x9e: {  	_ =	swait.ge [sflag:s22], s20  }
0x9f: {  	s4 =	ssub.s32 $0x0, s20;
	[sflag:s22] =	ssyncset.done $0x0  }
0xa0: {  	[sflag:s22] =	ssyncadd.s32 s4;
	_ =	sdelay $0x1  }
0xa1: {  	s23 =	simm.s32 $0x1B8B  }
0xa2: {  	_ =	swait.ge [sflag:s23], $0x1  }
0xa3: {  	[sflag:s23] =	ssyncset.done $0x0  }
0xa4: {  	s25 =	simm.s32 $0x1B8E;
	s24 =	sld [smem:$0x3FFE];
	[sflag:s23] =	ssyncadd.s32 $0xFFFFFFFF  }
0xa5: {  	s26 =	simm.s32 $execute0_lowered;
	[smem:$0x3FD2] =	sst s25  }
0xa6: {  	s5 =	sshll.u32 s26, $0x1;
	_ =	strace $0x8000004C;
	[dreg:$0x1] =	wrdreg $0xFFFFFFFF  }
0xa7: {  	s28 =	simm.s32 $_size_execute0_lowered;
	s3 =	sadd.s32 s3, s5;
	[dreg:$0x0] =	wrdreg $0x0  }
0xa8: {  	s5 =	sshll.u32 s28, $0x1;
	[dreg:$0x2] =	wrdreg s3  }
0xa9: {  	[dreg:$0x3] =	wrdreg s5  }
0xaa: {  	[dreg:$0x4] =	wrdreg $0xC0  }
0xab: {  	_ =	task [dreg:s7], $0x5FFFF  }
0xac: {  	[dreg:$0x1] =	wrdreg $0xFFFFFFFF  }
0xad: {  	[dreg:$0x0] =	wrdreg $0x60  }
0xae: {  	[dreg:$0x2] =	wrdreg s2  }
0xaf: {  	[dreg:$0x3] =	wrdreg s24  }
0xb0: {  	[dreg:$0x4] =	wrdreg $0xA8000  }
0xb1: {  	[dreg:$0x5] =	wrdreg $0x9  }
0xb2: {  	_ =	task.clear_ibuf [dreg:s7], $0x6FFFF;
	_ =	strace $0x9000004C  }
0xb3: {  	s29 =	simm.s32 $0x9;
	_ =	strace $0x8000004E  }
0xb4: {  	_ =	swait.ge [sflag:s29], $0x1  }
0xb5: {  	[sflag:s29] =	ssyncadd.s32 $0xFFFFFFFF  }
0xb6: {  	_ =	strace $0x9000004E  }
0xb7: {  	_ =	sfence  }
0xb8: {  	s30 =	sld [smem:$0x0];
	_ =	sdelay $0x2  }
0xb9: {  	s31 =	sshll.u32 s1, $0xD;
	s1 =	sshrl.u32 s1, $0x2  }
0xba: {  	s3 =	sand.u32 $0x4000, s31;
	s1 =	sadd.s32 s1, s30  }
0xbb: {  	s0 =	sor.u32 s3, s0;
	s1 =	sshll.u32 s1, $0x11  }
0xbc: {  	s0 =	sor.u32 s1, s0  }
0xbd: {  	s0 =	sadd.s32 $0x8F2B, s0  }
0xbe: {  	[sflag:s0] =	ssyncadd.remote.s32 $0x1  }
0xbf: {  	_ =	sfence.sel $0xFFFF  }
0xc0: {  	[dreg:$0x0] =	wrdreg $0xFFFFFFFF;
	(pc) =	sbr.abs _section_cstart, $3  }
0xc1: {  	[dreg:$0x1] =	wrdreg $0xFFFFFFFF  }
0xc2: {  	_ =	task.clear_ibuf [dreg:s7], $0x2FFFF;
	_ =	strace $0x9FFFFFFF  }
0xc3: {  	(tm) =	ssettm $0x7FFFFFFF  }
tec
execute0_lowered:
.L_overlay_start_1:
0x0: {  	(tag) =	ssettag $0x1  }
0x1: {  	s1 =	rddreg [dreg:$0x0]  }
0x2: {  	s0 =	srdreg.scid;
	s7 =	rddreg [dreg:$0x1]  }
0x3: {  	s3 =	rddreg [dreg:$0x2];
	s4 =	simm.s32 $0x0;
	s16 =	simm.s32 $0x5  }
0x4: {  	s17 =	simm.s32 $0x1400;
	s18 =	simm.s32 $0x7D;
	s19 =	simm.s32 $0x2800  }
0x5: {  	s20 =	simm.s32 $0x80;
	s21 =	simm.s32 $0x6800;
	s22 =	simm.s32 $0x1  }
0x6: {  	s23 =	simm.s32 $0x2;
	s24 =	simm.s32 $0x1480;
	s25 =	simm.s32 $0x3  }
0x7: {  	s26 =	simm.s32 $0x4;
	s6 =	sand.u32 $0x1, s0;
	s0 =	stileid.u32  }
0x8: {  	s28 =	simm.s32 $0x0;
	[smem:$0x7FF] =	sst s4;
	s9 =	smul.u32 $0x4F000, s0  }
0x9: {  	s14 =	sadd.s32 $0x128400, s3;
	s2 =	sshll.u32 s6, $0x4;
	s31 =	smul.u32 $0x27100, s6  }
0xa: {  	s6 =	ssub.s32 $0x2, s6;
	p0 =	seq.s32 s0, $0xF;
	s5 =	sor.u32 s0, s2  }
0xb: {  	s2 =	rddreg [dreg:$0x3];
	_ =	strace $0x8000004D;
	s8 =	smul.u32 $0x500, s5  }
0xc: {  	s12 =	sshrl.u32 s6, $0x1;
	s5 =	smul.u32 $0x2780, s0;
	s9 =	sshrl.u32 s9, $0x2  }
0xd: {  	s13 =	sadd.s32 s31, s7;
	s12 =	ssub.s32 s6, s12;
	s15 =	sadd.s32 s9, s3  }
0xe: {  	s10 =	sadd.s32 s8, s7;
	s11 =	sadd.s32 s5, s7;
	s7 =	sadd.s32 $0x31280, s7  }
0xf: {  	s15 =	sshrl.u32 @!p0 s15, $0x3;
	s6 =	sadd.s32 $0xC200, s11;
	s8 =	sadd.s32 $0x5AC00, s10  }
0x10: {  	s9 =	sadd.s32 $0x2200, s10;
	s11 =	smax.u32 s12, $0x1;
	s12 =	sshll.u32 @!p0 s0, $0x6  }
0x11: {  	s10 =	sadd.s32 $0x64C00, s13;
	s13 =	sshrl.u32 @p0 s14, $0x3;
	s14 =	sor.u32 @!p0 $0x1C01, s12  }
.LBB2_1:
0x12: {  	s29 =	simm.s32 @p0 $0x1FC1  }
0x13: {  	[spmem:s13], [sflag:s29] =	dma.local @p0 [hbm:s7], $0x2080  }
0x14: {  	[spmem:s15], [sflag:s14] =	dma.local @!p0 [hbm:s6], $0x2780  }
0x15: {  	[tilespmem:s4], [sflag:$0x5] =	stream.linear.gather [hbm4b:s8+s4], $0x1400, $0x38;
	[tilespmem:$0x1E080] =	vst v63  }
0x16: {  	_ =	swait.ge [sflag:s16], $0x1400  }
0x17: {  	[sflag:s16] =	ssyncset.done $0x0  }
0x18: {  	[sflag:s16] =	ssyncadd.s32 $0xFFFFEC00  }
0x19: {  	[tilespmem:s17], [sflag:$0x5] =	stream.linear.gather [hbm4b:s9+s4], $0x1400, $0x38;
	[tilespmem:$0x1E080] =	vst v63  }
0x1a: {  	_ =	swait.ge [sflag:s16], $0x1400  }
0x1b: {  	[sflag:s16] =	ssyncset.done $0x0  }
0x1c: {  	s29 =	simm.s32 @p0 $0x1;
	[sflag:s16] =	ssyncadd.s32 $0xFFFFEC00  }
0x1d: {  	_ =	swait.ge @p0 [sflag:s29], $0x2080  }
0x1e: {  	[sflag:s29] =	ssyncset.done @p0 $0x0  }
0x1f: {  	[sflag:s29] =	ssyncadd.s32 @p0 $0xFFFFDF80;
	s29 =	simm.s32 @!p0 $0x1  }
0x20: {  	_ =	swait.ge @!p0 [sflag:s29], $0x2780  }
0x21: {  	[sflag:s29] =	ssyncset.done @!p0 $0x0  }
0x22: {  	[sflag:s29] =	ssyncadd.s32 @!p0 $0xFFFFD880  }
0x23: {  	[bflag:$0x0] =	sbarrier.arrive $0xFFFF  }
0x24: {  	[tilespmem:s19], [sflag:$0x1] =	stream.indirect.gather [hbm4b:s1+s18], $0x80, s4, s18, $0xb8;
	[tilespmem:$0x1E080] =	vst v63  }
0x25: {  	_ = 	snop  }
0x26: {  	[tilespmem:s21], [sflag:$0x2] =	stream.indirect.gather [hbm4b:s1+s18], $0x80, s20, s18, $0xb8;
	[tilespmem:$0x1E080] =	vst v63  }
0x27: {  	_ =	swait.ge [sflag:s22], $0x3E80  }
0x28: {  	[sflag:s22] =	ssyncset.done $0x0  }
0x29: {  	[sflag:s22] =	ssyncadd.s32 $0xFFFFC180  }
0x2a: {  	[spmem:s3] =	stream.indirect.scatter.add.f32 [tilespmem:s19], [sflag:$0x3], $0x80, s17, s18, $0xb8;
	[tilespmem:$0x1E080] =	vst v63  }
0x2b: {  	_ =	swait.ge [sflag:s23], $0x3E80  }
0x2c: {  	[sflag:s23] =	ssyncset.done $0x0  }
0x2d: {  	[sflag:s23] =	ssyncadd.s32 $0xFFFFC180  }
0x2e: {  	[spmem:s3] =	stream.indirect.scatter.add.f32 [tilespmem:s21], [sflag:$0x4], $0x80, s24, s18, $0xb8;
	[tilespmem:$0x1E080] =	vst v63  }
0x2f: {  	_ =	swait.ge [sflag:s25], $0x3E80  }
0x30: {  	[sflag:s25] =	ssyncset.done $0x0  }
0x31: {  	s29 =	simm.s32 $0x100;
	[sflag:s25] =	ssyncadd.s32 $0xFFFFC180  }
0x32: {  	[tilespmem:s19], [sflag:$0x1] =	stream.indirect.gather [hbm4b:s1+s18], $0x80, s29, s18, $0xb8;
	[tilespmem:$0x1E080] =	vst v63  }
0x33: {  	_ =	swait.ge [sflag:s26], $0x3E80  }
0x34: {  	[sflag:s26] =	ssyncset.done $0x0  }
0x35: {  	s29 =	simm.s32 $0x180;
	[sflag:s26] =	ssyncadd.s32 $0xFFFFC180  }
0x36: {  	[tilespmem:s21], [sflag:$0x2] =	stream.indirect.gather [hbm4b:s1+s18], $0x80, s29, s18, $0xb8;
	[tilespmem:$0x1E080] =	vst v63  }
0x37: {  	_ =	swait.ge [sflag:s22], $0x3E80  }
0x38: {  	[sflag:s22] =	ssyncset.done $0x0  }
0x39: {  	s29 =	simm.s32 $0x1500;
	[sflag:s22] =	ssyncadd.s32 $0xFFFFC180  }
0x3a: {  	[spmem:s3] =	stream.indirect.scatter.add.f32 [tilespmem:s19], [sflag:$0x3], $0x80, s29, s18, $0xb8;
	[tilespmem:$0x1E080] =	vst v63  }
0x3b: {  	_ =	swait.ge [sflag:s23], $0x3E80  }
0x3c: {  	[sflag:s23] =	ssyncset.done $0x0  }
0x3d: {  	s30 =	simm.s32 $0x1580;
	s29 =	simm.s32 $0xFFFFB800;
	[sflag:s23] =	ssyncadd.s32 $0xFFFFC180  }
.LBB2_2:
0x3e: {  	[spmem:s3] =	stream.indirect.scatter.add.f32 [tilespmem:s21], [sflag:$0x4], $0x80, s30, s18, $0xb8;
	[tilespmem:$0x1E080] =	vst v63  }
0x3f: {  	s30 =	smov.u32 s29  }
0x40: {  	p1 =	sne.s32 s29, $0xFFFFFC00;
	s29 =	sadd.s32 $0x400, s29;
	_ =	swait.ge [sflag:s25], $0x3E80  }
0x41: {  	s30 =	sshra.s32 s30, $0x2;
	[sflag:s25] =	ssyncset.done $0x0  }
0x42: {  	s31 =	sadd.s32 $0x1400, s30;
	[sflag:s25] =	ssyncadd.s32 $0xFFFFC180  }
0x43: {  	[tilespmem:s19], [sflag:$0x1] =	stream.indirect.gather [hbm4b:s1+s18], $0x80, s31, s18, $0xb8;
	[tilespmem:$0x1E080] =	vst v63  }
0x44: {  	_ =	swait.ge [sflag:s26], $0x3E80  }
0x45: {  	[sflag:s26] =	ssyncset.done $0x0  }
0x46: {  	s31 =	sadd.s32 $0x1480, s30;
	[sflag:s26] =	ssyncadd.s32 $0xFFFFC180  }
0x47: {  	[tilespmem:s21], [sflag:$0x2] =	stream.indirect.gather [hbm4b:s1+s18], $0x80, s31, s18, $0xb8;
	[tilespmem:$0x1E080] =	vst v63  }
0x48: {  	_ =	swait.ge [sflag:s22], $0x3E80  }
0x49: {  	[sflag:s22] =	ssyncset.done $0x0  }
.Ltmp0:
0x4a: {  	s31 =	sadd.s32 $0x2800, s30;
	[sflag:s22] =	ssyncadd.s32 $0xFFFFC180;
	(pc) =	sbr.rel @p1 .LBB2_2-.Ltmp0, $4  }
0x4b: {  	[spmem:s3] =	stream.indirect.scatter.add.f32 [tilespmem:s19], [sflag:$0x3], $0x80, s31, s18, $0xb8;
	[tilespmem:$0x1E080] =	vst v63  }
0x4c: {  	_ =	swait.ge [sflag:s23], $0x3E80  }
0x4d: {  	[sflag:s23] =	ssyncset.done $0x0  }
0x4e: {  	s30 =	sadd.s32 $0x2880, s30;
	[sflag:s23] =	ssyncadd.s32 $0xFFFFC180  }
0x4f: {  	[spmem:s3] =	stream.indirect.scatter.add.f32 [tilespmem:s21], [sflag:$0x4], $0x80, s30, s18, $0xb8;
	[tilespmem:$0x1E080] =	vst v63  }
0x50: {  	_ =	swait.ge [sflag:s25], $0x3E80  }
0x51: {  	[sflag:s25] =	ssyncset.done $0x0  }
0x52: {  	[sflag:s25] =	ssyncadd.s32 $0xFFFFC180  }
0x53: {  	_ =	swait.ge [sflag:s26], $0x3E80  }
0x54: {  	[sflag:s26] =	ssyncset.done $0x0  }
0x55: {  	s29 =	sadd.s32 $0x280, s8;
	[sflag:s26] =	ssyncadd.s32 $0xFFFFC180  }
0x56: {  	[tilespmem:s4], [sflag:$0x5] =	stream.linear.gather [hbm4b:s29+s4], $0x1400, $0x38;
	[tilespmem:$0x1E080] =	vst v63  }
0x57: {  	_ =	swait.ge [sflag:s16], $0x1400  }
0x58: {  	[sflag:s16] =	ssyncset.done $0x0  }
0x59: {  	s29 =	sadd.s32 $0x280, s9;
	[sflag:s16] =	ssyncadd.s32 $0xFFFFEC00  }
0x5a: {  	[tilespmem:s17], [sflag:$0x5] =	stream.linear.gather [hbm4b:s29+s4], $0x1400, $0x38;
	[tilespmem:$0x1E080] =	vst v63  }
0x5b: {  	_ =	swait.ge [sflag:s16], $0x1400  }
0x5c: {  	[sflag:s16] =	ssyncset.done $0x0  }
0x5d: {  	[sflag:s16] =	ssyncadd.s32 $0xFFFFEC00  }
0x5e: {  	[tilespmem:s19], [sflag:$0x1] =	stream.indirect.gather [hbm4b:s1+s18], $0x80, s4, s18, $0xb8;
	[tilespmem:$0x1E080] =	vst v63  }
0x5f: {  	_ = 	snop  }
0x60: {  	[tilespmem:s21], [sflag:$0x2] =	stream.indirect.gather [hbm4b:s1+s18], $0x80, s20, s18, $0xb8;
	[tilespmem:$0x1E080] =	vst v63  }
0x61: {  	_ =	swait.ge [sflag:s22], $0x3E80  }
0x62: {  	[sflag:s22] =	ssyncset.done $0x0  }
0x63: {  	[sflag:s22] =	ssyncadd.s32 $0xFFFFC180  }
0x64: {  	[spmem:s3] =	stream.indirect.scatter.add.f32 [tilespmem:s19], [sflag:$0x3], $0x80, s17, s18, $0xb8;
	[tilespmem:$0x1E080] =	vst v63  }
0x65: {  	_ =	swait.ge [sflag:s23], $0x3E80  }
0x66: {  	[sflag:s23] =	ssyncset.done $0x0  }
0x67: {  	[sflag:s23] =	ssyncadd.s32 $0xFFFFC180  }
0x68: {  	[spmem:s3] =	stream.indirect.scatter.add.f32 [tilespmem:s21], [sflag:$0x4], $0x80, s24, s18, $0xb8;
	[tilespmem:$0x1E080] =	vst v63  }
0x69: {  	_ =	swait.ge [sflag:s25], $0x3E80  }
0x6a: {  	[sflag:s25] =	ssyncset.done $0x0  }
0x6b: {  	s29 =	simm.s32 $0x100;
	[sflag:s25] =	ssyncadd.s32 $0xFFFFC180  }
0x6c: {  	[tilespmem:s19], [sflag:$0x1] =	stream.indirect.gather [hbm4b:s1+s18], $0x80, s29, s18, $0xb8;
	[tilespmem:$0x1E080] =	vst v63  }
0x6d: {  	_ =	swait.ge [sflag:s26], $0x3E80  }
0x6e: {  	[sflag:s26] =	ssyncset.done $0x0  }
0x6f: {  	s29 =	simm.s32 $0x180;
	[sflag:s26] =	ssyncadd.s32 $0xFFFFC180  }
0x70: {  	[tilespmem:s21], [sflag:$0x2] =	stream.indirect.gather [hbm4b:s1+s18], $0x80, s29, s18, $0xb8;
	[tilespmem:$0x1E080] =	vst v63  }
0x71: {  	_ =	swait.ge [sflag:s22], $0x3E80  }
0x72: {  	[sflag:s22] =	ssyncset.done $0x0  }
0x73: {  	s29 =	simm.s32 $0x1500;
	[sflag:s22] =	ssyncadd.s32 $0xFFFFC180  }
0x74: {  	[spmem:s3] =	stream.indirect.scatter.add.f32 [tilespmem:s19], [sflag:$0x3], $0x80, s29, s18, $0xb8;
	[tilespmem:$0x1E080] =	vst v63  }
0x75: {  	_ =	swait.ge [sflag:s23], $0x3E80  }
0x76: {  	[sflag:s23] =	ssyncset.done $0x0  }
0x77: {  	s30 =	simm.s32 $0x1580;
	s29 =	simm.s32 $0xFFFFB800;
	[sflag:s23] =	ssyncadd.s32 $0xFFFFC180  }
.LBB2_4:
0x78: {  	[spmem:s3] =	stream.indirect.scatter.add.f32 [tilespmem:s21], [sflag:$0x4], $0x80, s30, s18, $0xb8;
	[tilespmem:$0x1E080] =	vst v63  }
0x79: {  	s30 =	smov.u32 s29  }
0x7a: {  	p1 =	sne.s32 s29, $0xFFFFFC00;
	s29 =	sadd.s32 $0x400, s29;
	_ =	swait.ge [sflag:s25], $0x3E80  }
0x7b: {  	s30 =	sshra.s32 s30, $0x2;
	[sflag:s25] =	ssyncset.done $0x0  }
0x7c: {  	s31 =	sadd.s32 $0x1400, s30;
	[sflag:s25] =	ssyncadd.s32 $0xFFFFC180  }
0x7d: {  	[tilespmem:s19], [sflag:$0x1] =	stream.indirect.gather [hbm4b:s1+s18], $0x80, s31, s18, $0xb8;
	[tilespmem:$0x1E080] =	vst v63  }
0x7e: {  	_ =	swait.ge [sflag:s26], $0x3E80  }
0x7f: {  	[sflag:s26] =	ssyncset.done $0x0  }
0x80: {  	s31 =	sadd.s32 $0x1480, s30;
	[sflag:s26] =	ssyncadd.s32 $0xFFFFC180  }
0x81: {  	[tilespmem:s21], [sflag:$0x2] =	stream.indirect.gather [hbm4b:s1+s18], $0x80, s31, s18, $0xb8;
	[tilespmem:$0x1E080] =	vst v63  }
0x82: {  	_ =	swait.ge [sflag:s22], $0x3E80  }
0x83: {  	[sflag:s22] =	ssyncset.done $0x0  }
.Ltmp1:
0x84: {  	s31 =	sadd.s32 $0x2800, s30;
	[sflag:s22] =	ssyncadd.s32 $0xFFFFC180;
	(pc) =	sbr.rel @p1 .LBB2_4-.Ltmp1, $4  }
0x85: {  	[spmem:s3] =	stream.indirect.scatter.add.f32 [tilespmem:s19], [sflag:$0x3], $0x80, s31, s18, $0xb8;
	[tilespmem:$0x1E080] =	vst v63  }
0x86: {  	_ =	swait.ge [sflag:s23], $0x3E80  }
0x87: {  	[sflag:s23] =	ssyncset.done $0x0  }
0x88: {  	s30 =	sadd.s32 $0x2880, s30;
	[sflag:s23] =	ssyncadd.s32 $0xFFFFC180  }
0x89: {  	[spmem:s3] =	stream.indirect.scatter.add.f32 [tilespmem:s21], [sflag:$0x4], $0x80, s30, s18, $0xb8;
	[tilespmem:$0x1E080] =	vst v63  }
0x8a: {  	_ =	swait.ge [sflag:s25], $0x3E80  }
0x8b: {  	[sflag:s25] =	ssyncset.done $0x0  }
0x8c: {  	[sflag:s25] =	ssyncadd.s32 $0xFFFFC180  }
0x8d: {  	_ =	swait.ge [sflag:s26], $0x3E80  }
0x8e: {  	[sflag:s26] =	ssyncset.done $0x0  }
0x8f: {  	[sflag:s26] =	ssyncadd.s32 $0xFFFFC180  }
0x90: {  	s29 =	sadd.s32 @p0 $0x25080, s10;
	s30 =	simm.s32 @p0 $0x1FC5;
	[bflag:$0x0] =	sbarrier.arrive $0xFFFF  }
0x91: {  	[hbm:s29], [sflag:s30] =	dma.local @p0 [spmem:s13], $0x2080  }
0x92: {  	s29 =	simm.s32 @p0 $0x5  }
0x93: {  	s28 =	sadd.s32 $0x1, s28;
	_ =	swait.ge @p0 [sflag:s29], $0x2080  }
0x94: {  	p1 =	sne.s32 s28, s11;
	[sflag:s29] =	ssyncset.done @p0 $0x0  }
0x95: {  	s30 =	sor.u32 @!p0 $0x1C05, s12;
	[sflag:s29] =	ssyncadd.s32 @p0 $0xFFFFDF80;
	s29 =	sadd.s32 @!p0 s5, s10  }
0x96: {  	[hbm:s29], [sflag:s30] =	dma.local @!p0 [spmem:s15], $0x2780  }
.Ltmp2:
0x97: {  	_ = 	snop;
	(pc) =	sbr.rel @p1 .LBB2_1-.Ltmp2, $4  }
0x98: {  	s29 =	simm.s32 @!p0 $0x5  }
0x99: {  	_ =	swait.ge @!p0 [sflag:s29], $0x2780  }
0x9a: {  	[sflag:s29] =	ssyncset.done @!p0 $0x0  }
0x9b: {  	[sflag:s29] =	ssyncadd.s32 @!p0 $0xFFFFD880  }
0x9c: {  	_ =	sfence.sel $0x180000  }
0x9d: {  	[bflag:$0x0] =	sbarrier.arrive $0xFFFF  }
0x9e: {  	p0 =	sne.s32 s0, $0x0;
	_ =	strace $0x9000004D  }
0x9f: {  	s0 =	sadd.s32 @!p0 $0x100000, s2;
	[bflag:$0x2] =	sbarrier.arrive $0xFFFF  }
0xa0: {  	[sflag:s0] =	ssyncadd.tile.s32 @!p0 $0x1;
	_ =	shalt  }
.Lfunc_end2:
_tile_overlayer_lowered:
.L_overlay_start_2:
0xa1: {  	(tag) =	ssettag $0x2  }
0xa2: {  	s0 =	rddreg [dreg:$0x0];
	s2 =	stileid.u32  }
0xa3: {  	s1 =	rddreg [dreg:$0x1];
	p0 =	sne.s32 s2, $0x0  }
0xa4: {  	s3 =	rddreg [dreg:$0x2];
	[bflag:$0x3] =	sbarrier.arrive $0xFFFF;
	s2 =	simm.s32 @!p0 $0x1C05  }
0xa5: {  	[timem:s3], [sflag:s2] =	dma.local @!p0 [hbm:s0], s1  }
0xa6: {  	s0 =	simm.s32 @!p0 $0x5  }
0xa7: {  	_ =	swait.ge @!p0 [sflag:s0], s1  }
0xa8: {  	s1 =	ssub.s32 @!p0 $0x0, s1;
	[sflag:s0] =	ssyncset.done @!p0 $0x0  }
0xa9: {  	[sflag:s0] =	ssyncadd.s32 @!p0 s1  }
0xaa: {  	[bflag:$0x3] =	sbarrier.arrive $0xFFFF  }
0xab: {  	_ =	shalt  }

// kernel: kernel.8.cloned.1.call-start
scs
__scs_entry_jumppad:
0x0: {  	(pc) =	sbr.rel $0x88, $3  }
0x1: {  	(tag) =	ssettag $0x0;
	lr =	simm.s32 $0x1  }
0x2: {  	[smem:$0x3F99] =	sst lr;
	_ =	strace $0xD0000000  }
0x3: {  	_ = 	snop  }
0x4: {  	_ = 	snop  }
0x5: {  	_ = 	snop  }
0x6: {  	_ = 	snop  }
0x7: {  	_ = 	snop  }
__scs_overlays_trampoline_lowered:
0x8: {  	[smem:$0x3FA8] =	sst s0  }
0x9: {  	[smem:$0x3FA9] =	sst s1  }
0xa: {  	[smem:$0x3FAA] =	sst s2  }
0xb: {  	[smem:$0x3FAB] =	sst s3  }
0xc: {  	[smem:$0x3FAC] =	sst s4  }
0xd: {  	[smem:$0x3FAD] =	sst s5  }
0xe: {  	[smem:$0x3FAE] =	sst s6  }
0xf: {  	[smem:$0x3FAF] =	sst s7  }
0x10: {  	[smem:$0x3FB0] =	sst s8  }
0x11: {  	[smem:$0x3FB1] =	sst s9;
	s0 =	simm.s32 @!p0 $0x0  }
0x12: {  	s1 =	sld [smem:$0x3F97];
	s0 =	simm.s32 @p0 $0x1  }
0x13: {  	[smem:$0x3FB2] =	sst s0;
	s0 =	simm.s32 @!p1 $0x0  }
0x14: {  	s2 =	sld [smem:$0x3F96];
	s0 =	simm.s32 @p1 $0x1  }
0x15: {  	[smem:$0x3FB3] =	sst s0;
	s0 =	simm.s32 @!p2 $0x0  }
0x16: {  	s3 =	sld [smem:$0x3FDB];
	s0 =	simm.s32 @p2 $0x1  }
0x17: {  	s4 =	simm.s32 $0x1BF5;
	[smem:$0x3FB5] =	sst s0  }
0x18: {  	s0 =	sld [smem:$0x3F98];
	_ =	swait.ge [sflag:s4], $0x0  }
0x19: {  	s7 =	sld [smem:$0x3F99]  }
0x1a: {  	s8 =	sadd.s32 $0xFFFFE003, lr  }
0x1b: {  	s9 =	sadd.s32 $0xFFFFFEF7, lr;
	s5 =	simm.s32 $0xFFFFFFFF;
	p2 =	slt.u32 s8, $0xFFFFF086  }
0x1c: {  	p1 =	slt.u32 s9, $0xF7A;
	s5 =	simm.s32 @!p2 $0x0  }
0x1d: {  	s5 =	simm.s32 @p1 $0x1;
	p0 =	seq.s32 s7, s2  }
0x1e: {  	s7 =	smul.u32 @!p0 $0xF7A, s2;
	p2 =	seq.s32 @!p0 s5, $0x0  }
0x1f: {  	s9 =	smul.u32 $0xF7A, s1;
	s8 =	simm.s32 @!p0 $0x1BF5;
	p2 =	por !p2, p0  }
0x20: {  	[sflag:s8] =	ssyncset.s32 @!p0 $0xFFFFF086;
	s6 =	sadd.s32 @!p0 s3, s7;
	s7 =	simm.s32 @!p0 $0x108  }
0x21: {  	s3 =	sadd.s32 s3, s9;
	s6 =	sadd.s32 @!p0 $0x88, s6;
	s7 =	simm.s32 @p2 $0x1082  }
0x22: {  	[simem:s7], [sflag:s8] =	dma.local @!p0 [hbm:s6], $0xF7A  }
0x23: {  	s9 =	sor.u32 $0xD0000000, s2;
	s6 =	simm.s32 $0x108;
	_ =	swait.ge @!p0 [sflag:s8], $0x0  }
0x24: {  	s3 =	sadd.s32 $0x88, s3;
	s6 =	simm.s32 @!p1 $0x1082;
	[sflag:s4] =	ssyncset.s32 $0xFFFFF086  }
0x25: {  	[simem:s6], [sflag:s4] =	dma.local [hbm:s3], $0xF7A  }
0x26: {  	[smem:$0x3F99] =	sst s1;
	(tag) =	ssettag s2;
	_ =	strace s9  }
0x27: {  	s1 =	sld [smem:$0x3FA9]  }
0x28: {  	s2 =	sld [smem:$0x3FAA]  }
0x29: {  	s4 =	sld [smem:$0x3FAC]  }
0x2a: {  	p0 =	seq.s32 s5, $0x0;
	s5 =	sld [smem:$0x3FAD]  }
0x2b: {  	s6 =	sld [smem:$0x3FAE]  }
0x2c: {  	s7 =	sld [smem:$0x3FAF]  }
0x2d: {  	s3 =	simm.s32 $0x108;
	s8 =	sld [smem:$0x3FB0]  }
0x2e: {  	s3 =	simm.s32 @!p0 $0x1082;
	s9 =	sld [smem:$0x3FB1]  }
0x2f: {  	lr =	sadd.s32 s0, s3;
	s0 =	sld [smem:$0x3FA8]  }
0x30: {  	s3 =	sld [smem:$0x3FAB]  }
0x31: {  	[smem:$0x3FB4] =	sst s10  }
0x32: {  	s10 =	sld [smem:$0x3FB2];
	_ =	sdelay $0x3  }
0x33: {  	p0 =	seq.s32 s10, $0x1;
	s10 =	sld [smem:$0x3FB4];
	_ =	sdelay $0x3  }
0x34: {  	[smem:$0x3FB4] =	sst s10  }
0x35: {  	s10 =	sld [smem:$0x3FB3];
	_ =	sdelay $0x3  }
0x36: {  	p1 =	seq.s32 s10, $0x1;
	s10 =	sld [smem:$0x3FB4];
	_ =	sdelay $0x3  }
0x37: {  	[smem:$0x3FB4] =	sst s10  }
0x38: {  	s10 =	sld [smem:$0x3FB5]  }
0x39: {  	_ = 	snop;
	(pc) =	sbr.ind lr, $3  }
0x3a: {  	_ = 	snop  }
0x3b: {  	_ = 	snop  }
0x3c: {  	p2 =	seq.s32 s10, $0x1;
	s10 =	sld [smem:$0x3FB4]  }
0x3d: {  	_ =	shalt  }
0x3e: {  	_ =	shalt  }
0x3f: {  	_ =	shalt  }
0x40: {  	_ =	shalt  }
0x41: {  	_ =	shalt  }
0x42: {  	_ =	shalt  }
0x43: {  	_ =	shalt  }
0x44: {  	_ =	shalt  }
0x45: {  	_ =	shalt  }
0x46: {  	_ =	shalt  }
0x47: {  	_ =	shalt  }
0x48: {  	_ =	shalt  }
0x49: {  	_ =	shalt  }
0x4a: {  	_ =	shalt  }
0x4b: {  	_ =	shalt  }
0x4c: {  	_ =	shalt  }
0x4d: {  	_ =	shalt  }
0x4e: {  	_ =	shalt  }
0x4f: {  	_ =	shalt  }
0x50: {  	_ =	shalt  }
0x51: {  	_ =	shalt  }
0x52: {  	_ =	shalt  }
0x53: {  	_ =	shalt  }
0x54: {  	_ =	shalt  }
0x55: {  	_ =	shalt  }
0x56: {  	_ =	shalt  }
0x57: {  	_ =	shalt  }
0x58: {  	_ =	shalt  }
0x59: {  	_ =	shalt  }
0x5a: {  	_ =	shalt  }
0x5b: {  	_ =	shalt  }
0x5c: {  	_ =	shalt  }
0x5d: {  	_ =	shalt  }
0x5e: {  	_ =	shalt  }
0x5f: {  	_ =	shalt  }
0x60: {  	_ =	shalt  }
0x61: {  	_ =	shalt  }
0x62: {  	_ =	shalt  }
0x63: {  	_ =	shalt  }
0x64: {  	_ =	shalt  }
0x65: {  	_ =	shalt  }
0x66: {  	_ =	shalt  }
0x67: {  	_ =	shalt  }
0x68: {  	_ =	shalt  }
0x69: {  	_ =	shalt  }
0x6a: {  	_ =	shalt  }
0x6b: {  	_ =	shalt  }
0x6c: {  	_ =	shalt  }
0x6d: {  	_ =	shalt  }
0x6e: {  	_ =	shalt  }
0x6f: {  	_ =	shalt  }
0x70: {  	_ =	shalt  }
0x71: {  	_ =	shalt  }
0x72: {  	_ =	shalt  }
0x73: {  	_ =	shalt  }
0x74: {  	_ =	shalt  }
0x75: {  	_ =	shalt  }
0x76: {  	_ =	shalt  }
0x77: {  	_ =	shalt  }
0x78: {  	_ =	shalt  }
0x79: {  	_ =	shalt  }
0x7a: {  	_ =	shalt  }
0x7b: {  	_ =	shalt  }
0x7c: {  	_ =	shalt  }
0x7d: {  	_ =	shalt  }
0x7e: {  	_ =	shalt  }
0x7f: {  	_ =	shalt  }
0x80: {  	_ =	shalt  }
0x81: {  	_ =	shalt  }
0x82: {  	_ =	shalt  }
0x83: {  	_ =	shalt  }
0x84: {  	_ =	shalt  }
0x85: {  	_ =	shalt  }
0x86: {  	_ =	shalt  }
0x87: {  	_ =	shalt  }
.Lfunc_end0:
.L_simem_size_0:
called_computation_lowered:
.L_overlay_start_0:
0x88: {  	s2 =	sld [smem:$0x3FD9]  }
0x89: {  	s3 =	sld [smem:$0x3FFE];
	_ =	sdelay $0x1  }
0x8a: {  	s1 =	srdreg.scid  }
0x8b: {  	s0 =	sand.u32 $0x1, s1  }
0x8c: {  	s17 =	sshll.u32 s0, $0xA;
	s2 =	sadd.s32 s3, s2  }
0x8d: {  	s2 =	sadd.s32 s2, s17  }
0x8e: {  	[smem:$0x3FC0] =	sst s2  }
0x8f: {  	_ = 	snop  }
0x90: {  	s2 =	sld [smem:$0x3FD0];
	(tm) =	ssettm $0x1  }
0x91: {  	s18 =	sld [smem:$0x3FFB];
	_ =	sdelay $0x3  }
0x92: {  	_ =	strace s18  }
0x93: {  	s3 =	sld [smem:$0x3FFC];
	_ =	sdelay $0x3  }
0x94: {  	_ =	strace s3  }
0x95: {  	s3 =	sld [smem:$0x3FFD];
	_ =	sdelay $0x3  }
0x96: {  	_ =	strace s3  }
0x97: {  	_ =	strace $0x8FFFFFFF  }
0x98: {  	s19 =	sld [smem:$0x3FDB];
	_ =	sdelay $0x1  }
0x99: {  	s4 =	simm.s32 $_scs_section_size  }
0x9a: {  	s5 =	simm.s32 $_size__tile_overlayer_lowered;
	s6 =	simm.s32 $_tile_overlayer_lowered  }
0x9b: {  	s22 =	simm.s32 $0x1BFF;
	s21 =	sshll.u32 s6, $0x1;
	s3 =	sadd.s32 s4, s19  }
0x9c: {  	s7 =	simm.s32 $0x0;
	s20 =	sshll.u32 s5, $0x1;
	s5 =	sadd.s32 s21, s3  }
0x9d: {  	[timem:s7], [sflag:s22] =	dma.local [hbm:s5], s20  }
0x9e: {  	_ =	swait.ge [sflag:s22], s20  }
0x9f: {  	s4 =	ssub.s32 $0x0, s20;
	[sflag:s22] =	ssyncset.done $0x0  }
0xa0: {  	[sflag:s22] =	ssyncadd.s32 s4;
	_ =	sdelay $0x1  }
0xa1: {  	s23 =	simm.s32 $0x1B8B  }
0xa2: {  	_ =	swait.ge [sflag:s23], $0x1  }
0xa3: {  	[sflag:s23] =	ssyncset.done $0x0  }
0xa4: {  	s25 =	simm.s32 $0x1B8E;
	s24 =	sld [smem:$0x3FFE];
	[sflag:s23] =	ssyncadd.s32 $0xFFFFFFFF  }
0xa5: {  	s26 =	simm.s32 $execute0_lowered;
	[smem:$0x3FD2] =	sst s25  }
0xa6: {  	s5 =	sshll.u32 s26, $0x1;
	_ =	strace $0x80000046;
	[dreg:$0x1] =	wrdreg $0xFFFFFFFF  }
0xa7: {  	s28 =	simm.s32 $_size_execute0_lowered;
	s3 =	sadd.s32 s3, s5;
	[dreg:$0x0] =	wrdreg $0x0  }
0xa8: {  	s5 =	sshll.u32 s28, $0x1;
	[dreg:$0x2] =	wrdreg s3  }
0xa9: {  	[dreg:$0x3] =	wrdreg s5  }
0xaa: {  	[dreg:$0x4] =	wrdreg $0xC0  }
0xab: {  	_ =	task [dreg:s7], $0x5FFFF  }
0xac: {  	[dreg:$0x1] =	wrdreg $0xFFFFFFFF  }
0xad: {  	[dreg:$0x0] =	wrdreg $0x60  }
0xae: {  	[dreg:$0x2] =	wrdreg s24  }
0xaf: {  	[dreg:$0x3] =	wrdreg s2  }
0xb0: {  	[dreg:$0x4] =	wrdreg $0x68000  }
0xb1: {  	[dreg:$0x5] =	wrdreg $0x9  }
0xb2: {  	_ =	task.clear_ibuf [dreg:s7], $0x6FFFF;
	_ =	strace $0x90000046  }
0xb3: {  	s29 =	simm.s32 $0x9;
	_ =	strace $0x80000048  }
0xb4: {  	_ =	swait.ge [sflag:s29], $0x1  }
0xb5: {  	[sflag:s29] =	ssyncadd.s32 $0xFFFFFFFF  }
0xb6: {  	_ =	strace $0x90000048  }
0xb7: {  	_ =	sfence  }
0xb8: {  	s30 =	sld [smem:$0x0];
	_ =	sdelay $0x2  }
0xb9: {  	s31 =	sshll.u32 s1, $0xD;
	s1 =	sshrl.u32 s1, $0x2  }
0xba: {  	s3 =	sand.u32 $0x4000, s31;
	s1 =	sadd.s32 s1, s30  }
0xbb: {  	s0 =	sor.u32 s3, s0;
	s1 =	sshll.u32 s1, $0x11  }
0xbc: {  	s0 =	sor.u32 s1, s0  }
0xbd: {  	s0 =	sadd.s32 $0x8F2B, s0  }
0xbe: {  	[sflag:s0] =	ssyncadd.remote.s32 $0x1  }
0xbf: {  	_ =	sfence.sel $0xFFFF  }
0xc0: {  	[dreg:$0x0] =	wrdreg $0xFFFFFFFF;
	(pc) =	sbr.abs _section_cstart, $3  }
0xc1: {  	[dreg:$0x1] =	wrdreg $0xFFFFFFFF  }
0xc2: {  	_ =	task.clear_ibuf [dreg:s7], $0x2FFFF;
	_ =	strace $0x9FFFFFFF  }
0xc3: {  	(tm) =	ssettm $0x7FFFFFFF  }
tec
execute0_lowered:
.L_overlay_start_1:
0x0: {  	(tag) =	ssettag $0x1  }
0x1: {  	s5 =	rddreg [dreg:$0x0]  }
0x2: {  	s7 =	rddreg [dreg:$0x1]  }
0x3: {  	s0 =	srdreg.scid;
	s2 =	rddreg [dreg:$0x2]  }
0x4: {  	s3 =	simm.s32 $0x0;
	s13 =	simm.s32 $0x2;
	s6 =	sand.u32 $0x1, s0  }
0x5: {  	s14 =	simm.s32 $0x7D;
	s0 =	stileid.u32;
	s8 =	smul.u32 $0x27100, s6  }
0x6: {  	s15 =	simm.s32 $0x1;
	[smem:$0x7FF] =	sst s3;
	s10 =	smul.u32 $0x4F000, s0  }
0x7: {  	s1 =	sshll.u32 s6, $0x4;
	s6 =	ssub.s32 $0x2, s6;
	s17 =	smul.u32 $0x2780, s0  }
0x8: {  	p0 =	seq.s32 s0, $0xF;
	s4 =	sor.u32 s0, s1;
	s1 =	rddreg [dreg:$0x3]  }
0x9: {  	_ =	strace $0x80000047;
	s31 =	sshrl.u32 s6, $0x1;
	s19 =	sshll.u32 @!p0 s0, $0x6  }
0xa: {  	s4 =	smul.u32 $0x500, s4;
	s8 =	sadd.s32 s8, s5;
	s10 =	sshrl.u32 s10, $0x2  }
0xb: {  	s11 =	ssub.s32 s6, s31;
	s6 =	sadd.s32 $0x25080, s7;
	s12 =	sadd.s32 s10, s2  }
0xc: {  	s10 =	sadd.s32 $0x128400, s2;
	s18 =	sadd.s32 $0xCA00, s8;
	s8 =	smax.u32 s11, $0x1  }
0xd: {  	s9 =	sadd.s32 s4, s5;
	s4 =	sadd.s32 $0xC200, s5;
	s5 =	sadd.s32 s7, s17  }
0xe: {  	s11 =	sshrl.u32 @!p0 s12, $0x3;
	s12 =	simm.s32 $0x2800;
	s16 =	sadd.s32 @p0 $0x25080, s18  }
0xf: {  	s17 =	sadd.s32 @!p0 s17, s18;
	s18 =	sor.u32 @!p0 $0x1C02, s19;
	s7 =	sadd.s32 $0x2200, s9  }
0x10: {  	s9 =	sshrl.u32 @p0 s10, $0x3;
	s10 =	sor.u32 @!p0 $0x1C01, s19;
	s19 =	simm.s32 $0x0  }
.LBB2_1:
0x11: {  	s20 =	simm.s32 @p0 $0x1FC1  }
0x12: {  	[spmem:s9], [sflag:s20] =	dma.local @p0 [hbm:s6], $0x2080  }
0x13: {  	[spmem:s11], [sflag:s10] =	dma.local @!p0 [hbm:s5], $0x2780  }
0x14: {  	[tilespmem:s12], [sflag:$0x2] =	stream.linear.gather [hbm4b:s4+s3], $0x3E80, $0x38;
	[tilespmem:$0x8F10] =	vst v63  }
0x15: {  	_ =	swait.ge [sflag:s13], $0x3E80  }
0x16: {  	[sflag:s13] =	ssyncset.done $0x0  }
0x17: {  	[sflag:s13] =	ssyncadd.s32 $0xFFFFC180  }
0x18: {  	[tilespmem:s3], [sflag:$0x2] =	stream.linear.gather [hbm4b:s7+s3], $0x2800, $0x38;
	[tilespmem:$0x8F10] =	vst v63  }
0x19: {  	_ =	swait.ge [sflag:s13], $0x2800  }
0x1a: {  	[sflag:s13] =	ssyncset.done $0x0  }
0x1b: {  	s20 =	simm.s32 @p0 $0x1;
	[sflag:s13] =	ssyncadd.s32 $0xFFFFD800  }
0x1c: {  	_ =	swait.ge @p0 [sflag:s20], $0x2080  }
0x1d: {  	[sflag:s20] =	ssyncset.done @p0 $0x0  }
0x1e: {  	[sflag:s20] =	ssyncadd.s32 @p0 $0xFFFFDF80;
	s20 =	simm.s32 @!p0 $0x1  }
0x1f: {  	_ =	swait.ge @!p0 [sflag:s20], $0x2780  }
0x20: {  	[sflag:s20] =	ssyncset.done @!p0 $0x0  }
0x21: {  	[sflag:s20] =	ssyncadd.s32 @!p0 $0xFFFFD880  }
0x22: {  	s20 =	simm.s32 $0x0;
	[bflag:$0x0] =	sbarrier.arrive $0xFFFF  }
.LBB2_2:
0x23: {  	p1 =	sne.s32 s20, $0x9E00  }
.Ltmp0:
0x24: {  	_ = 	snop;
	(pc) =	sbr.rel @p1 .LBB2_2-.Ltmp0, $3  }
0x25: {  	_ =	sdelay $0x1  }
0x26: {  	s21 =	sshra.s32 s20, $0x2;
	s20 =	sadd.s32 $0x200, s20  }
0x27: {  	[spmem:s2] =	stream.indirect.scatter.add.f32 [tilespmem:s12], [sflag:$0x1], $0x10, s21, s14, $0xb8;
	[tilespmem:$0x8F10] =	vst v63  }
0x28: {  	_ =	swait.ge [sflag:s15], $0x7D0  }
0x29: {  	s20 =	simm.s32 $0x4F;
	[sflag:s15] =	ssyncset.done $0x0  }
.LBB2_4:
0x2a: {  	p1 =	sne.s32 s20, $0x1;
	s20 =	sadd.s32 $0xFFFFFFFF, s20;
	[sflag:s15] =	ssyncadd.s32 $0xFFFFF830  }
.Ltmp1:
0x2b: {  	(pc) =	sbr.rel @p1 .LBB2_4-.Ltmp1, $3  }
0x2c: {  	_ =	sdelay $0x1  }
0x2d: {  	_ =	swait.ge [sflag:s15], $0x7D0  }
0x2e: {  	[sflag:s15] =	ssyncset.done $0x0  }
0x2f: {  	[sflag:s15] =	ssyncadd.s32 $0xFFFFF830  }
0x30: {  	s20 =	simm.s32 @p0 $0x1FC2;
	[bflag:$0x0] =	sbarrier.arrive $0xFFFF  }
0x31: {  	[hbm:s16], [sflag:s20] =	dma.local @p0 [spmem:s9], $0x2080  }
0x32: {  	s20 =	simm.s32 @p0 $0x2  }
0x33: {  	s19 =	sadd.s32 $0x1, s19;
	_ =	swait.ge @p0 [sflag:s20], $0x2080  }
0x34: {  	p1 =	sne.s32 s19, s8;
	[sflag:s20] =	ssyncset.done @p0 $0x0  }
.Ltmp2:
0x35: {  	[sflag:s20] =	ssyncadd.s32 @p0 $0xFFFFDF80;
	s20 =	simm.s32 @!p0 $0x2;
	(pc) =	sbr.rel @p1 .LBB2_1-.Ltmp2, $4  }
0x36: {  	[hbm:s17], [sflag:s18] =	dma.local @!p0 [spmem:s11], $0x2780  }
0x37: {  	_ =	swait.ge @!p0 [sflag:s20], $0x2780  }
0x38: {  	[sflag:s20] =	ssyncset.done @!p0 $0x0  }
0x39: {  	[sflag:s20] =	ssyncadd.s32 @!p0 $0xFFFFD880  }
0x3a: {  	_ =	sfence.sel $0x180000  }
0x3b: {  	[bflag:$0x0] =	sbarrier.arrive $0xFFFF  }
0x3c: {  	p0 =	sne.s32 s0, $0x0;
	_ =	strace $0x90000047  }
0x3d: {  	s0 =	sadd.s32 @!p0 $0x100000, s1;
	[bflag:$0x2] =	sbarrier.arrive $0xFFFF  }
0x3e: {  	[sflag:s0] =	ssyncadd.tile.s32 @!p0 $0x1;
	_ =	shalt  }
.Lfunc_end2:
_tile_overlayer_lowered:
.L_overlay_start_2:
0x3f: {  	(tag) =	ssettag $0x2  }
0x40: {  	s0 =	rddreg [dreg:$0x0];
	s2 =	stileid.u32  }
0x41: {  	s1 =	rddreg [dreg:$0x1];
	p0 =	sne.s32 s2, $0x0  }
0x42: {  	s3 =	rddreg [dreg:$0x2];
	[bflag:$0x3] =	sbarrier.arrive $0xFFFF;
	s2 =	simm.s32 @!p0 $0x1C02  }
0x43: {  	[timem:s3], [sflag:s2] =	dma.local @!p0 [hbm:s0], s1  }
0x44: {  	s0 =	simm.s32 @!p0 $0x2  }
0x45: {  	_ =	swait.ge @!p0 [sflag:s0], s1  }
0x46: {  	s1 =	ssub.s32 @!p0 $0x0, s1;
	[sflag:s0] =	ssyncset.done @!p0 $0x0  }
0x47: {  	[sflag:s0] =	ssyncadd.s32 @!p0 s1  }
0x48: {  	[bflag:$0x3] =	sbarrier.arrive $0xFFFF  }
0x49: {  	_ =	shalt  }

</sc_bundles>
